<compile_context>
chip_gen: v7x
topology: tpu7x:2x2x1
jax: 0.10.2.dev20260603
libtpu: 0.0.44.dev20260713+nightly
codegen_flags: <defaults>
</compile_context>

<pallas_src>
import functools

import jax
import jax.numpy as jnp
from jax import lax
from jax.experimental import pallas as pl
from jax.experimental.pallas import tpu as pltpu
from jax.experimental.pallas import tpu_sc as plsc

E = 64
TOPK = 1
H = 1024
I_E = 64
T = 2048
EPS = 1e-06
SCALE = float(E) / float(TOPK)
TB = 256
NB = T // TB
CS = 64
NCH = T // CS
NPASS = NCH + E
G = 16
SPLIT = G // 2
NG = E // G
NC, NS = 2, 16
NW = NC * NS
RPW = T // NW


def _router_body(x_ref, nw_ref, rw_ref,
                 eidx_ref, rank_ref, dest_ref,
                 counts_ref, offsets_ref, aux_ref, eop_ref, cop_ref, gb_ref,
                 imp_s):
    i = pl.program_id(0)
    x = x_ref[...]
    var = jnp.mean(x * x, axis=1, keepdims=True)
    r_in = nw_ref[...] * (x * lax.rsqrt(var + EPS))
    logits = lax.dot_general(r_in, rw_ref[...], (((1,), (1,)), ((), ())),
                             preferred_element_type=jnp.float32)
    mx = jnp.max(logits, axis=1, keepdims=True)
    p = jnp.exp(logits - mx)
    sm = p / jnp.sum(p, axis=1, keepdims=True)
    imp_blk = jnp.sum(sm, axis=0, keepdims=True)
    imp_prev = jnp.where(i == 0, jnp.zeros((1, E), jnp.float32), imp_s[...])
    imp_s[...] = imp_prev + imp_blk

    iota_e = lax.broadcasted_iota(jnp.int32, (TB, E), 1)
    cand = jnp.where(logits == mx, iota_e, jnp.int32(2**30))
    eidx = jnp.min(cand, axis=1, keepdims=True)
    oh = (iota_e == eidx).astype(jnp.float32)
    r_iota = lax.broadcasted_iota(jnp.int32, (TB, TB), 0)
    c_iota = lax.broadcasted_iota(jnp.int32, (TB, TB), 1)
    tril = (c_iota < r_iota).astype(jnp.float32)
    before = lax.dot_general(tril, oh, (((1,), (0,)), ((), ())),
                             preferred_element_type=jnp.float32)
    prev = jnp.where(i == 0, jnp.zeros((1, E), jnp.float32), counts_ref[...])
    rank = jnp.sum(oh * (before + prev), axis=1, keepdims=True)
    counts_new = prev + jnp.sum(oh, axis=0, keepdims=True)
    counts_ref[...] = counts_new
    eidx_ref[pl.ds(i * TB, TB), :] = eidx
    rank_ref[pl.ds(i * TB, TB), :] = rank.astype(jnp.int32)

    @pl.when(i == NB - 1)
    def _finish():
        e_r = lax.broadcasted_iota(jnp.int32, (E, E), 0)
        e_c = lax.broadcasted_iota(jnp.int32, (E, E), 1)
        upper = (e_r < e_c).astype(jnp.float32)
        offs = lax.dot_general(counts_new, upper, (((1,), (0,)), ((), ())),
                               preferred_element_type=jnp.float32)
        offsets_ref[...] = offs
        imp_full = (imp_prev + imp_blk) / float(T)
        load = counts_new / float(T * TOPK)
        aux_ref[...] = jnp.sum(imp_full * load, keepdims=True) * float(E)

        eidx_all = eidx_ref[...]
        rank_all = rank_ref[...]
        iota_e2 = lax.broadcasted_iota(jnp.int32, (T, E), 1)
        oh_all = (iota_e2 == eidx_all).astype(jnp.float32)
        offt = jnp.sum(oh_all * offs, axis=1, keepdims=True)
        dest_ref[...] = offt.astype(jnp.int32) + rank_all

        endp = offs + counts_new
        c0 = jnp.floor(offs / float(CS))
        c1 = jnp.floor((endp + float(CS - 1)) / float(CS))
        npass = jnp.where(counts_new > 0.0, c1 - c0, 0.0)
        pb = lax.dot_general(npass, upper, (((1,), (0,)), ((), ())),
                             preferred_element_type=jnp.float32)
        pcol = lax.broadcasted_iota(jnp.int32, (NPASS, 1), 0).astype(
            jnp.float32)
        ge = (pb <= pcol).astype(jnp.float32)
        eop = jnp.sum(ge, axis=1, keepdims=True) - 1.0
        iota_eN = lax.broadcasted_iota(jnp.int32, (NPASS, E), 1)
        ohp = (iota_eN == eop.astype(jnp.int32)).astype(jnp.float32)
        c0s = jnp.sum(ohp * c0, axis=1, keepdims=True)
        pbs = jnp.sum(ohp * pb, axis=1, keepdims=True)
        cop = jnp.clip(c0s + pcol - pbs, 0.0, float(NCH - 1))
        eop_ref[...] = eop.astype(jnp.int32)
        cop_ref[...] = cop.astype(jnp.int32)

        iota_g = lax.broadcasted_iota(jnp.int32, (2 * G, E), 0)
        iota_ge = lax.broadcasted_iota(jnp.int32, (2 * G, E), 1)
        sel = ((iota_ge == SPLIT * iota_g)
               & (iota_g < E // SPLIT)).astype(jnp.float32)
        tot = (iota_g == E // SPLIT).astype(jnp.float32)
        gb = (jnp.sum(sel * pb, axis=1, keepdims=True)
              + jnp.sum(tot * npass, axis=1, keepdims=True))
        gb_ref[...] = gb.astype(jnp.int32)


def _router(x, nw2, router_w):
    return pl.pallas_call(
        _router_body,
        grid=(NB,),
        in_specs=[
            pl.BlockSpec((TB, H), lambda i: (i, 0)),
            pl.BlockSpec((1, H), lambda i: (0, 0)),
            pl.BlockSpec((E, H), lambda i: (0, 0)),
        ],
        out_specs=[
            pl.BlockSpec((T, 1), lambda i: (0, 0)),
            pl.BlockSpec((T, 1), lambda i: (0, 0)),
            pl.BlockSpec((T, 1), lambda i: (0, 0)),
            pl.BlockSpec((1, E), lambda i: (0, 0)),
            pl.BlockSpec((1, E), lambda i: (0, 0)),
            pl.BlockSpec((1, 1), lambda i: (0, 0)),
            pl.BlockSpec((NPASS, 1), lambda i: (0, 0)),
            pl.BlockSpec((NPASS, 1), lambda i: (0, 0)),
            pl.BlockSpec((2 * G, 1), lambda i: (0, 0)),
        ],
        out_shape=[
            jax.ShapeDtypeStruct((T, 1), jnp.int32),
            jax.ShapeDtypeStruct((T, 1), jnp.int32),
            jax.ShapeDtypeStruct((T, 1), jnp.int32),
            jax.ShapeDtypeStruct((1, E), jnp.float32),
            jax.ShapeDtypeStruct((1, E), jnp.float32),
            jax.ShapeDtypeStruct((1, 1), jnp.float32),
            jax.ShapeDtypeStruct((NPASS, 1), jnp.int32),
            jax.ShapeDtypeStruct((NPASS, 1), jnp.int32),
            jax.ShapeDtypeStruct((2 * G, 1), jnp.int32),
        ],
        scratch_shapes=[pltpu.VMEM((1, E), jnp.float32)],
    )(x, nw2, router_w)


def _sc_mesh():
    return plsc.VectorSubcoreMesh(core_axis_name="c", subcore_axis_name="s",
                                  num_cores=NC, num_subcores=NS)


def _sc_scatter_rows(table, idx):

    @functools.partial(
        pl.kernel,
        out_type=jax.ShapeDtypeStruct((T, H), jnp.float32),
        mesh=_sc_mesh(),
        scratch_types=[
            pltpu.VMEM((RPW,), jnp.int32),
            pltpu.VMEM((RPW, H), jnp.float32),
            pltpu.SemaphoreType.DMA,
        ],
    )
    def k(table_hbm, idx_hbm, out_hbm, idx_v, rows_v, sem):
        wid = lax.axis_index("s") * NC + lax.axis_index("c")
        base = wid * RPW
        pltpu.sync_copy(idx_hbm.at[pl.ds(base, RPW)], idx_v)
        pltpu.sync_copy(table_hbm.at[pl.ds(base, RPW)], rows_v)
        pltpu.async_copy(rows_v, out_hbm.at[idx_v], sem).wait()

    return k(table, idx)


def _sc_gather_rows(table, idx):

    @functools.partial(
        pl.kernel,
        out_type=jax.ShapeDtypeStruct((T, H), jnp.float32),
        mesh=_sc_mesh(),
        scratch_types=[
            pltpu.VMEM((RPW,), jnp.int32),
            pltpu.VMEM((RPW, H), jnp.float32),
            pltpu.SemaphoreType.DMA,
        ],
    )
    def k(table_hbm, idx_hbm, out_hbm, idx_v, rows_v, sem):
        wid = lax.axis_index("s") * NC + lax.axis_index("c")
        base = wid * RPW
        pltpu.sync_copy(idx_hbm.at[pl.ds(base, RPW)], idx_v)
        pltpu.async_copy(table_hbm.at[idx_v], rows_v, sem).wait()
        pltpu.sync_copy(rows_v, out_hbm.at[pl.ds(base, RPW)])

    return k(table, idx)


def _ffn_body(eop_ref, cop_ref, off_ref, cnt_ref, gb_ref,
              x_ref, ga_ref, gb2_ref, ua_ref, ub_ref, da_ref, db_ref, o_ref):
    gidx = pl.program_id(0)
    cdims = (((1,), (1,)), ((), ()))

    def half(gw_ref, uw_ref, dw_ref, half_idx):
        p0 = gb_ref[2 * gidx + half_idx]
        p1 = gb_ref[2 * gidx + half_idx + 1]

        def body(p, carry):
            e = eop_ref[p]
            c = cop_ref[p]
            start = off_ref[e]
            cnt = cnt_ref[e]
            el = e - (gidx * G + half_idx * SPLIT)
            base = c * CS
            rows = x_ref[pl.ds(base, CS), :]
            gw = gw_ref[pl.ds(el, 1), :, :].reshape(I_E, H)
            uw = uw_ref[pl.ds(el, 1), :, :].reshape(I_E, H)
            dw = dw_ref[pl.ds(el, 1), :, :].reshape(H, I_E)
            g = lax.dot_general(rows, gw, cdims,
                                preferred_element_type=jnp.float32)
            u = lax.dot_general(rows, uw, cdims,
                                preferred_element_type=jnp.float32)
            inner = g * (1.0 / (1.0 + jnp.exp(-g))) * u
            out = lax.dot_general(inner, dw, cdims,
                                  preferred_element_type=jnp.float32) * SCALE
            pvec = base + lax.broadcasted_iota(jnp.int32, (CS, 1), 0)
            m = (pvec >= start) & (pvec < start + cnt)
            o_ref[pl.ds(base, CS), :] = jnp.where(m, out,
                                                  o_ref[pl.ds(base, CS), :])
            return carry

        lax.fori_loop(p0, p1, body, 0)

    half(ga_ref, ua_ref, da_ref, 0)
    half(gb2_ref, ub_ref, db_ref, 1)


def _ffn(eop, cop, off_i, cnt_i, gb, sorted_x, gate_w, up_w, down_w):
    grid_spec = pltpu.PrefetchScalarGridSpec(
        num_scalar_prefetch=5,
        grid=(NG,),
        in_specs=[
            pl.BlockSpec((T, H), lambda g, *_: (0, 0)),
            pl.BlockSpec((SPLIT, I_E, H), lambda g, *_: (2 * g, 0, 0)),
            pl.BlockSpec((SPLIT, I_E, H), lambda g, *_: (2 * g + 1, 0, 0)),
            pl.BlockSpec((SPLIT, I_E, H), lambda g, *_: (2 * g, 0, 0)),
            pl.BlockSpec((SPLIT, I_E, H), lambda g, *_: (2 * g + 1, 0, 0)),
            pl.BlockSpec((SPLIT, H, I_E), lambda g, *_: (2 * g, 0, 0)),
            pl.BlockSpec((SPLIT, H, I_E), lambda g, *_: (2 * g + 1, 0, 0)),
        ],
        out_specs=pl.BlockSpec((T, H), lambda g, *_: (0, 0)),
    )
    return pl.pallas_call(
        _ffn_body,
        grid_spec=grid_spec,
        out_shape=jax.ShapeDtypeStruct((T, H), jnp.float32),
    )(eop, cop, off_i, cnt_i, gb, sorted_x,
      gate_w, gate_w, up_w, up_w, down_w, down_w)


def _mse_body(sa_ref, sb_ref, ta_ref, tb_ref, o_ref):
    i = pl.program_id(0)
    da = sa_ref[...] - ta_ref[...]
    db = sb_ref[...] - tb_ref[...]
    part = jnp.sum(da * da, keepdims=True) + jnp.sum(db * db, keepdims=True)
    prev = jnp.where(i == 0, jnp.zeros((1, 1, 1), jnp.float32), o_ref[...])
    val = prev + part
    o_ref[...] = jnp.where(i == NB // 2 - 1, val / float(T * H), val)


def _mse(student, teach):
    s2 = student.reshape(2, T // 2, H)
    t2 = teach.reshape(2, T // 2, H)
    spec = pl.BlockSpec((1, TB, H), lambda i: (0, i, 0))
    spec_b = pl.BlockSpec((1, TB, H), lambda i: (1, i, 0))
    return pl.pallas_call(
        _mse_body,
        grid=(NB // 2,),
        in_specs=[spec, spec_b, spec, spec_b],
        out_specs=pl.BlockSpec((1, 1, 1), lambda i: (0, 0, 0)),
        out_shape=jax.ShapeDtypeStruct((1, 1, 1), jnp.float32),
    )(s2, s2, t2, t2)


def kernel(hidden_states, teacher_output, norm_w, router_w, gate_w, up_w,
           down_w):
    b, s, h = hidden_states.shape
    x = hidden_states.reshape(T, H)
    teach = teacher_output.reshape(T, H)
    nw2 = norm_w.reshape(1, H)
    (eidx, rank, dest, counts, offsets, aux, eop, cop, gb) = _router(
        x, nw2, router_w)
    dest1 = dest.reshape(T)
    sorted_x = _sc_scatter_rows(x, dest1)
    off_i = offsets.reshape(E).astype(jnp.int32)
    cnt_i = counts.reshape(E).astype(jnp.int32)
    out_sorted = _ffn(eop.reshape(NPASS), cop.reshape(NPASS), off_i, cnt_i,
                      gb.reshape(2 * G), sorted_x, gate_w, up_w, down_w)
    student = _sc_gather_rows(out_sorted, dest1)
    distill = _mse(student, teach).reshape(())
    return (student.reshape(b, s, h), aux.reshape(()), distill)

# --- scband reference (transcript-rebuilt; emitter-appended) ---
"""Pipeline reference for scband-student-mo-elayer-51453708206115 (READ-ONLY COPY).

The authoritative reference and input builder live on the scoring server;
editing this copy changes nothing except your own understanding.
"""

import jax, jax.numpy as jnp
import numpy as np

E = 64
TOPK = 1
H = 1024
I_TOTAL = 4096
I_E = I_TOTAL // E  # 64
EPS = 1e-06
SCALE = float(E) / float(TOPK)
B, S = 1, 2048


def _silu(x):
    return x * jax.nn.sigmoid(x)


def setup_inputs(seed: int = 0) -> dict:
    key = jax.random.key(seed)
    ks = jax.random.split(key, 8)
    hidden_states = jax.random.normal(ks[0], (B, S, H), dtype=jnp.float32)
    teacher_output = jax.random.normal(ks[1], (B, S, H), dtype=jnp.float32)
    norm_w = jnp.ones((H,), dtype=jnp.float32)
    router_w = jax.random.normal(ks[2], (E, H), dtype=jnp.float32) * 0.02
    gate_w = jax.random.normal(ks[3], (E, I_E, H), dtype=jnp.float32) * 0.02
    up_w = jax.random.normal(ks[4], (E, I_E, H), dtype=jnp.float32) * 0.02
    down_w = jax.random.normal(ks[5], (E, H, I_E), dtype=jnp.float32) * 0.02
    return {
        'hidden_states': hidden_states,
        'teacher_output': teacher_output,
        'norm_w': norm_w,
        'router_w': router_w,
        'gate_w': gate_w,
        'up_w': up_w,
        'down_w': down_w,
    }


def reference(hidden_states, teacher_output, norm_w, router_w, gate_w, up_w, down_w):
    b, s, h = hidden_states.shape
    flat = hidden_states.reshape(-1, h)
    T = flat.shape[0]
    # router_norm (RMSNorm in fp32)
    xf = flat.astype(jnp.float32)
    variance = jnp.mean(xf * xf, axis=-1, keepdims=True)
    router_input = norm_w * (xf * jax.lax.rsqrt(variance + EPS))
    # router
    router_logits = router_input @ router_w.T
    routing_weights = jax.nn.softmax(router_logits, axis=-1)
    topk_w, topk_idx = jax.lax.top_k(routing_weights, TOPK)
    topk_w = topk_w / jnp.sum(topk_w, axis=-1, keepdims=True)
    # dense combine weights: w_full[t, e] = sum of normalized topk weights routed to expert e
    w_full = jnp.zeros((T, E), dtype=jnp.float32).at[jnp.arange(T)[:, None], topk_idx].add(topk_w)
    # experts (dense formulation: compute every expert on every token, weight by w_full)
    gate = jnp.einsum('th,eih->tei', flat, gate_w)
    up = jnp.einsum('th,eih->tei', flat, up_w)
    inner = _silu(gate) * up
    out_e = jnp.einsum('tei,ehi->teh', inner, down_w)
    student = jnp.sum(out_e * w_full[:, :, None], axis=1)
    student_output = student.reshape(b, s, h) * SCALE
    # aux load-balancing loss (module defaults to training=True)
    importance = jnp.sum(routing_weights.astype(jnp.float32), axis=0) / T
    expert_mask = jax.nn.one_hot(topk_idx, E, dtype=jnp.float32)
    load = jnp.sum(expert_mask, axis=(0, 1)) / (T * TOPK)
    aux_loss = jnp.sum(importance * load) * E
    # distill loss (mse)
    diff = student_output.astype(teacher_output.dtype) - teacher_output
    distill_loss = jnp.mean(diff * diff)
    return (student_output, aux_loss, distill_loss)

if __name__ == "__main__":
    import jax
    _d = setup_inputs()
    print(jax.jit(kernel)(*tuple(_d.values())))

</pallas_src>

<mosaic_0001>
#map = affine_map<(d0, d1) -> (0, 0)>
#map1 = affine_map<(d0, d1) -> (0)>
module attributes {stable_mosaic.version = 14 : i64} {
  func.func @k(%arg0: i32, %arg1: i32, %arg2: memref<2048x1024xf32, #tpu.memory_space<hbm>>, %arg3: memref<2048xi32, #tpu.memory_space<hbm>>, %arg4: memref<2048x1024xf32, #tpu.memory_space<hbm>>, %arg5: memref<64xi32, #tpu.memory_space<vmem>>, %arg6: memref<64x1024xf32, #tpu.memory_space<vmem>>, %arg7: memref<!tpu.dma_semaphore, #tpu.memory_space<semaphore_mem>>) attributes {dimension_semantics = [#tpu.dimension_semantics<core_parallel>, #tpu.dimension_semantics<subcore_parallel>], iteration_bounds = array<i64: 2, 16>, scalar_prefetch = 0 : i64, scratch_operands = 3 : i64, tpu.core_type = #tpu.core_type<sc_vector_subcore>, window_params = [{transform_indices = #map}, {transform_indices = #map1}, {transform_indices = #map}]} {
    %mul3A = arith.constant 2 : i32
    %mul3A_0 = arith.muli %arg1, %mul3A : i32
    %add3A = arith.addi %mul3A_0, %arg0 : i32
    %mul3A_1 = arith.constant 64 : i32
    %mul3A_2 = arith.muli %add3A, %mul3A_1 : i32
    "tpu.region"() ({
      %run_scoped3A = tpu.sem_alloc : memref<!tpu.dma_semaphore, #tpu.memory_space<semaphore_mem>>
      %dma_start3A_7 = tpu.memref_slice %arg3[%mul3A_2] : memref<2048xi32, #tpu.memory_space<hbm>> -> memref<64xi32, #tpu.memory_space<hbm>>
      %dma_start3A_8 = tpu.memref_slice %arg3[%mul3A_2] : memref<2048xi32, #tpu.memory_space<hbm>> -> memref<64xi32, #tpu.memory_space<hbm>>
      tpu.enqueue_dma source(%dma_start3A_8 : memref<64xi32, #tpu.memory_space<hbm>>) target(%arg5 : memref<64xi32, #tpu.memory_space<vmem>>) target_semaphore(%run_scoped3A : memref<!tpu.dma_semaphore, #tpu.memory_space<semaphore_mem>>)
      %dma_wait3A_9 = tpu.memref_slice %arg3[%mul3A_2] : memref<2048xi32, #tpu.memory_space<hbm>> -> memref<64xi32, #tpu.memory_space<hbm>>
      %dma_wait3A_10 = tpu.memref_slice %arg3[%mul3A_2] : memref<2048xi32, #tpu.memory_space<hbm>> -> memref<64xi32, #tpu.memory_space<hbm>>
      tpu.wait_dma2 semaphore(%run_scoped3A : memref<!tpu.dma_semaphore, #tpu.memory_space<semaphore_mem>>) src(%dma_wait3A_10 : memref<64xi32, #tpu.memory_space<hbm>>) dst(%arg5 : memref<64xi32, #tpu.memory_space<vmem>>)
      tpu.yield
    }) : () -> ()
    %dma_start3A = arith.constant 0 : i32
    %dma_start3A_3 = arith.constant 0 : i32
    %dma_start3A_4 = tpu.memref_slice %arg2[%dma_start3A, %dma_start3A_3] : memref<2048x1024xf32, #tpu.memory_space<hbm>> -> memref<2048x1024xf32, #tpu.memory_space<hbm>>
    tpu.enqueue_indirect_dma source(%dma_start3A_4 : memref<2048x1024xf32, #tpu.memory_space<hbm>>) target(%arg6 : memref<64x1024xf32, #tpu.memory_space<vmem>>) offsets(%arg5 : memref<64xi32, #tpu.memory_space<vmem>>) semaphore(%arg7 : memref<!tpu.dma_semaphore, #tpu.memory_space<semaphore_mem>>)
    %dma_wait3A = arith.constant 0 : i32
    %dma_wait3A_5 = arith.constant 0 : i32
    %dma_wait3A_6 = tpu.memref_slice %arg2[%dma_wait3A, %dma_wait3A_5] : memref<2048x1024xf32, #tpu.memory_space<hbm>> -> memref<2048x1024xf32, #tpu.memory_space<hbm>>
    tpu.wait_indirect_dma semaphore(%arg7 : memref<!tpu.dma_semaphore, #tpu.memory_space<semaphore_mem>>) src(%dma_wait3A_6 : memref<2048x1024xf32, #tpu.memory_space<hbm>>) dst(%arg6 : memref<64x1024xf32, #tpu.memory_space<vmem>>)
    "tpu.region"() ({
      %run_scoped3A = tpu.sem_alloc : memref<!tpu.dma_semaphore, #tpu.memory_space<semaphore_mem>>
      %dma_start3A_7 = arith.constant 0 : i32
      %dma_start3A_8 = tpu.memref_slice %arg4[%mul3A_2, %dma_start3A_7] : memref<2048x1024xf32, #tpu.memory_space<hbm>> -> memref<64x1024xf32, #tpu.memory_space<hbm>>
      %dma_start3A_9 = arith.constant 0 : i32
      %dma_start3A_10 = tpu.memref_slice %arg4[%mul3A_2, %dma_start3A_9] : memref<2048x1024xf32, #tpu.memory_space<hbm>> -> memref<64x1024xf32, #tpu.memory_space<hbm>>
      tpu.enqueue_dma source(%arg6 : memref<64x1024xf32, #tpu.memory_space<vmem>>) target(%dma_start3A_10 : memref<64x1024xf32, #tpu.memory_space<hbm>>) target_semaphore(%run_scoped3A : memref<!tpu.dma_semaphore, #tpu.memory_space<semaphore_mem>>)
      %dma_wait3A_11 = arith.constant 0 : i32
      %dma_wait3A_12 = tpu.memref_slice %arg4[%mul3A_2, %dma_wait3A_11] : memref<2048x1024xf32, #tpu.memory_space<hbm>> -> memref<64x1024xf32, #tpu.memory_space<hbm>>
      %dma_wait3A_13 = arith.constant 0 : i32
      %dma_wait3A_14 = tpu.memref_slice %arg4[%mul3A_2, %dma_wait3A_13] : memref<2048x1024xf32, #tpu.memory_space<hbm>> -> memref<64x1024xf32, #tpu.memory_space<hbm>>
      tpu.wait_dma2 semaphore(%run_scoped3A : memref<!tpu.dma_semaphore, #tpu.memory_space<semaphore_mem>>) src(%arg6 : memref<64x1024xf32, #tpu.memory_space<vmem>>) dst(%dma_wait3A_14 : memref<64x1024xf32, #tpu.memory_space<hbm>>)
      tpu.yield
    }) : () -> ()
    return
  }
}

#map = affine_map<(d0, d1) -> (0, 0)>
#map1 = affine_map<(d0, d1) -> (0)>
module attributes {stable_mosaic.version = 14 : i64} {
  func.func @k(%arg0: i32, %arg1: i32, %arg2: memref<2048x1024xf32, #tpu.memory_space<hbm>>, %arg3: memref<2048xi32, #tpu.memory_space<hbm>>, %arg4: memref<2048x1024xf32, #tpu.memory_space<hbm>>, %arg5: memref<64xi32, #tpu.memory_space<vmem>>, %arg6: memref<64x1024xf32, #tpu.memory_space<vmem>>, %arg7: memref<!tpu.dma_semaphore, #tpu.memory_space<semaphore_mem>>) attributes {dimension_semantics = [#tpu.dimension_semantics<core_parallel>, #tpu.dimension_semantics<subcore_parallel>], iteration_bounds = array<i64: 2, 16>, scalar_prefetch = 0 : i64, scratch_operands = 3 : i64, tpu.core_type = #tpu.core_type<sc_vector_subcore>, window_params = [{transform_indices = #map}, {transform_indices = #map1}, {transform_indices = #map}]} {
    %mul3A = arith.constant 2 : i32
    %mul3A_0 = arith.muli %arg1, %mul3A : i32
    %add3A = arith.addi %mul3A_0, %arg0 : i32
    %mul3A_1 = arith.constant 64 : i32
    %mul3A_2 = arith.muli %add3A, %mul3A_1 : i32
    "tpu.region"() ({
      %run_scoped3A = tpu.sem_alloc : memref<!tpu.dma_semaphore, #tpu.memory_space<semaphore_mem>>
      %dma_start3A_7 = tpu.memref_slice %arg3[%mul3A_2] : memref<2048xi32, #tpu.memory_space<hbm>> -> memref<64xi32, #tpu.memory_space<hbm>>
      %dma_start3A_8 = tpu.memref_slice %arg3[%mul3A_2] : memref<2048xi32, #tpu.memory_space<hbm>> -> memref<64xi32, #tpu.memory_space<hbm>>
      tpu.enqueue_dma source(%dma_start3A_8 : memref<64xi32, #tpu.memory_space<hbm>>) target(%arg5 : memref<64xi32, #tpu.memory_space<vmem>>) target_semaphore(%run_scoped3A : memref<!tpu.dma_semaphore, #tpu.memory_space<semaphore_mem>>)
      %dma_wait3A_9 = tpu.memref_slice %arg3[%mul3A_2] : memref<2048xi32, #tpu.memory_space<hbm>> -> memref<64xi32, #tpu.memory_space<hbm>>
      %dma_wait3A_10 = tpu.memref_slice %arg3[%mul3A_2] : memref<2048xi32, #tpu.memory_space<hbm>> -> memref<64xi32, #tpu.memory_space<hbm>>
      tpu.wait_dma2 semaphore(%run_scoped3A : memref<!tpu.dma_semaphore, #tpu.memory_space<semaphore_mem>>) src(%dma_wait3A_10 : memref<64xi32, #tpu.memory_space<hbm>>) dst(%arg5 : memref<64xi32, #tpu.memory_space<vmem>>)
      tpu.yield
    }) : () -> ()
    "tpu.region"() ({
      %run_scoped3A = tpu.sem_alloc : memref<!tpu.dma_semaphore, #tpu.memory_space<semaphore_mem>>
      %dma_start3A_7 = arith.constant 0 : i32
      %dma_start3A_8 = tpu.memref_slice %arg2[%mul3A_2, %dma_start3A_7] : memref<2048x1024xf32, #tpu.memory_space<hbm>> -> memref<64x1024xf32, #tpu.memory_space<hbm>>
      %dma_start3A_9 = arith.constant 0 : i32
      %dma_start3A_10 = tpu.memref_slice %arg2[%mul3A_2, %dma_start3A_9] : memref<2048x1024xf32, #tpu.memory_space<hbm>> -> memref<64x1024xf32, #tpu.memory_space<hbm>>
      tpu.enqueue_dma source(%dma_start3A_10 : memref<64x1024xf32, #tpu.memory_space<hbm>>) target(%arg6 : memref<64x1024xf32, #tpu.memory_space<vmem>>) target_semaphore(%run_scoped3A : memref<!tpu.dma_semaphore, #tpu.memory_space<semaphore_mem>>)
      %dma_wait3A_11 = arith.constant 0 : i32
      %dma_wait3A_12 = tpu.memref_slice %arg2[%mul3A_2, %dma_wait3A_11] : memref<2048x1024xf32, #tpu.memory_space<hbm>> -> memref<64x1024xf32, #tpu.memory_space<hbm>>
      %dma_wait3A_13 = arith.constant 0 : i32
      %dma_wait3A_14 = tpu.memref_slice %arg2[%mul3A_2, %dma_wait3A_13] : memref<2048x1024xf32, #tpu.memory_space<hbm>> -> memref<64x1024xf32, #tpu.memory_space<hbm>>
      tpu.wait_dma2 semaphore(%run_scoped3A : memref<!tpu.dma_semaphore, #tpu.memory_space<semaphore_mem>>) src(%dma_wait3A_14 : memref<64x1024xf32, #tpu.memory_space<hbm>>) dst(%arg6 : memref<64x1024xf32, #tpu.memory_space<vmem>>)
      tpu.yield
    }) : () -> ()
    %dma_start3A = arith.constant 0 : i32
    %dma_start3A_3 = arith.constant 0 : i32
    %dma_start3A_4 = tpu.memref_slice %arg4[%dma_start3A, %dma_start3A_3] : memref<2048x1024xf32, #tpu.memory_space<hbm>> -> memref<2048x1024xf32, #tpu.memory_space<hbm>>
    tpu.enqueue_indirect_dma source(%arg6 : memref<64x1024xf32, #tpu.memory_space<vmem>>) target(%dma_start3A_4 : memref<2048x1024xf32, #tpu.memory_space<hbm>>) offsets(%arg5 : memref<64xi32, #tpu.memory_space<vmem>>) semaphore(%arg7 : memref<!tpu.dma_semaphore, #tpu.memory_space<semaphore_mem>>)
    %dma_wait3A = arith.constant 0 : i32
    %dma_wait3A_5 = arith.constant 0 : i32
    %dma_wait3A_6 = tpu.memref_slice %arg4[%dma_wait3A, %dma_wait3A_5] : memref<2048x1024xf32, #tpu.memory_space<hbm>> -> memref<2048x1024xf32, #tpu.memory_space<hbm>>
    tpu.wait_indirect_dma semaphore(%arg7 : memref<!tpu.dma_semaphore, #tpu.memory_space<semaphore_mem>>) src(%arg6 : memref<64x1024xf32, #tpu.memory_space<vmem>>) dst(%dma_wait3A_6 : memref<2048x1024xf32, #tpu.memory_space<hbm>>)
    return
  }
}

module attributes {stable_mosaic.version = 14 : i64} {
  func.func @_router_body(%arg0: i32, %arg1: memref<256x1024xf32, #tpu.memory_space<vmem>>, %arg2: memref<1x1024xf32, #tpu.memory_space<vmem>>, %arg3: memref<64x1024xf32, #tpu.memory_space<vmem>>, %arg4: memref<2048x1xi32, #tpu.memory_space<vmem>>, %arg5: memref<2048x1xi32, #tpu.memory_space<vmem>>, %arg6: memref<2048x1xi32, #tpu.memory_space<vmem>>, %arg7: memref<1x64xf32, #tpu.memory_space<vmem>>, %arg8: memref<1x64xf32, #tpu.memory_space<vmem>>, %arg9: memref<1x1xf32, #tpu.memory_space<vmem>>, %arg10: memref<96x1xi32, #tpu.memory_space<vmem>>, %arg11: memref<96x1xi32, #tpu.memory_space<vmem>>, %arg12: memref<32x1xi32, #tpu.memory_space<vmem>>, %arg13: memref<1x64xf32, #tpu.memory_space<vmem>>) attributes {dimension_semantics = [#tpu.dimension_semantics<arbitrary>], iteration_bounds = array<i64: 8>, scalar_prefetch = 0 : i64, scratch_operands = 1 : i64, tpu.core_type = #tpu.core_type<tc>, window_params = [{transform_indices = @transform_0, window_bounds = array<i64: 256, 1024>}, {pipeline_mode = #tpu.pipeline_mode<synchronous>, transform_indices = @transform_1, window_bounds = array<i64: 1, 1024>}, {pipeline_mode = #tpu.pipeline_mode<synchronous>, transform_indices = @transform_2, window_bounds = array<i64: 64, 1024>}, {pipeline_mode = #tpu.pipeline_mode<synchronous>, transform_indices = @transform_3, window_bounds = array<i64: 2048, 1>}, {pipeline_mode = #tpu.pipeline_mode<synchronous>, transform_indices = @transform_4, window_bounds = array<i64: 2048, 1>}, {pipeline_mode = #tpu.pipeline_mode<synchronous>, transform_indices = @transform_5, window_bounds = array<i64: 2048, 1>}, {pipeline_mode = #tpu.pipeline_mode<synchronous>, transform_indices = @transform_6, window_bounds = array<i64: 1, 64>}, {pipeline_mode = #tpu.pipeline_mode<synchronous>, transform_indices = @transform_7, window_bounds = array<i64: 1, 64>}, {pipeline_mode = #tpu.pipeline_mode<synchronous>, transform_indices = @transform_8, window_bounds = array<i64: 1, 1>}, {pipeline_mode = #tpu.pipeline_mode<synchronous>, transform_indices = @transform_9, window_bounds = array<i64: 96, 1>}, {pipeline_mode = #tpu.pipeline_mode<synchronous>, transform_indices = @transform_10, window_bounds = array<i64: 96, 1>}, {pipeline_mode = #tpu.pipeline_mode<synchronous>, transform_indices = @transform_11, window_bounds = array<i64: 32, 1>}]} {
    %get3A = arith.constant 0 : index
    %get3A_0 = arith.constant 0 : index
    %get3A_1 = vector.load %arg1[%get3A, %get3A_0] : memref<256x1024xf32, #tpu.memory_space<vmem>>, vector<256x1024xf32>
    %mul3A = arith.mulf %get3A_1, %get3A_1 : vector<256x1024xf32>
    %reduce_sum3A = arith.constant dense<0.000000e+00> : vector<256xf32>
    %reduce_sum3A_2 = vector.multi_reduction <add>, %mul3A, %reduce_sum3A [1] : vector<256x1024xf32> to vector<256xf32>
    %broadcast_in_dim3A = vector.shape_cast %reduce_sum3A_2 : vector<256xf32> to vector<256x1xf32>
    %div3A = arith.constant 1.024000e+03 : f32
    %div3A_3 = vector.broadcast %div3A : f32 to vector<256x1xf32>
    %div3A_4 = arith.divf %broadcast_in_dim3A, %div3A_3 : vector<256x1xf32>
    %get3A_5 = arith.constant 0 : index
    %get3A_6 = arith.constant 0 : index
    %get3A_7 = vector.load %arg2[%get3A_5, %get3A_6] : memref<1x1024xf32, #tpu.memory_space<vmem>>, vector<1x1024xf32>
    %add3A = arith.constant 9.99999997E-7 : f32
    %add3A_8 = vector.broadcast %add3A : f32 to vector<256x1xf32>
    %add3A_9 = arith.addf %div3A_4, %add3A_8 : vector<256x1xf32>
    %rsqrt3A = math.rsqrt %add3A_9 : vector<256x1xf32>
    %mul3A_10 = vector.broadcast %rsqrt3A : vector<256x1xf32> to vector<256x1024xf32>
    %mul3A_11 = arith.mulf %get3A_1, %mul3A_10 : vector<256x1024xf32>
    %mul3A_12 = vector.broadcast %get3A_7 : vector<1x1024xf32> to vector<256x1024xf32>
    %mul3A_13 = arith.mulf %mul3A_12, %mul3A_11 : vector<256x1024xf32>
    %get3A_14 = arith.constant 0 : index
    %get3A_15 = arith.constant 0 : index
    %get3A_16 = vector.load %arg3[%get3A_14, %get3A_15] : memref<64x1024xf32, #tpu.memory_space<vmem>>, vector<64x1024xf32>
    %dot_general3A = arith.constant dense<0.000000e+00> : vector<256x64xf32>
    %dot_general3A_17 = tpu.matmul %mul3A_13, %get3A_16, %dot_general3A {dimension_numbers = #tpu.dot_dimension_numbers<[1], [1], [0], [0], [0, 0, 1, 0], [], []>, transpose_lhs_hint = false} : vector<256x1024xf32>, vector<64x1024xf32>, vector<256x64xf32> -> vector<256x64xf32>
    %reduce_max3A = arith.constant dense<0xFF800000> : vector<256xf32>
    %reduce_max3A_18 = vector.multi_reduction <maximumf>, %dot_general3A_17, %reduce_max3A [1] : vector<256x64xf32> to vector<256xf32>
    %broadcast_in_dim3A_19 = vector.shape_cast %reduce_max3A_18 : vector<256xf32> to vector<256x1xf32>
    %sub3A = vector.broadcast %broadcast_in_dim3A_19 : vector<256x1xf32> to vector<256x64xf32>
    %sub3A_20 = arith.subf %dot_general3A_17, %sub3A : vector<256x64xf32>
    %exp3A = math.exp %sub3A_20 : vector<256x64xf32>
    %reduce_sum3A_21 = arith.constant dense<0.000000e+00> : vector<256xf32>
    %reduce_sum3A_22 = vector.multi_reduction <add>, %exp3A, %reduce_sum3A_21 [1] : vector<256x64xf32> to vector<256xf32>
    %broadcast_in_dim3A_23 = vector.shape_cast %reduce_sum3A_22 : vector<256xf32> to vector<256x1xf32>
    %div3A_24 = vector.broadcast %broadcast_in_dim3A_23 : vector<256x1xf32> to vector<256x64xf32>
    %div3A_25 = arith.divf %exp3A, %div3A_24 : vector<256x64xf32>
    %reduce_sum3A_26 = arith.constant dense<0.000000e+00> : vector<64xf32>
    %reduce_sum3A_27 = vector.multi_reduction <add>, %div3A_25, %reduce_sum3A_26 [0] : vector<256x64xf32> to vector<64xf32>
    %broadcast_in_dim3A_28 = vector.shape_cast %reduce_sum3A_27 : vector<64xf32> to vector<1x64xf32>
    %eq3A = arith.constant 0 : i32
    %eq3A_29 = arith.cmpi eq, %arg0, %eq3A : i32
    %broadcast_in_dim3A_30 = arith.constant 0.000000e+00 : f32
    %broadcast_in_dim3A_31 = vector.broadcast %broadcast_in_dim3A_30 : f32 to vector<1x64xf32>
    %get3A_32 = arith.constant 0 : index
    %get3A_33 = arith.constant 0 : index
    %get3A_34 = vector.load %arg13[%get3A_32, %get3A_33] : memref<1x64xf32, #tpu.memory_space<vmem>>, vector<1x64xf32>
    %select_n3A = arith.select %eq3A_29, %broadcast_in_dim3A_31, %get3A_34 : vector<1x64xf32>
    %add3A_35 = arith.addf %select_n3A, %broadcast_in_dim3A_28 : vector<1x64xf32>
    %swap3A = arith.constant 0 : index
    %swap3A_36 = arith.constant 0 : index
    %swap3A_37 = vector.load %arg13[%swap3A, %swap3A_36] : memref<1x64xf32, #tpu.memory_space<vmem>>, vector<1x64xf32>
    tpu.vector_store %arg13[%swap3A, %swap3A_36], %add3A_35 {strides = array<i32>} : memref<1x64xf32, #tpu.memory_space<vmem>>, vector<1x64xf32>,
    %iota3A = tpu.iota {dimensions = array<i32: 1>} : vector<256x64xi32>
    %eq3A_38 = vector.broadcast %broadcast_in_dim3A_19 : vector<256x1xf32> to vector<256x64xf32>
    %eq3A_39 = arith.cmpf oeq, %dot_general3A_17, %eq3A_38 : vector<256x64xf32>
    %jit3A = arith.constant 1073741824 : i32
    %broadcast_in_dim3A_40 = vector.broadcast %jit3A : i32 to vector<256x64xi32>
    %select_n3A_41 = arith.select %eq3A_39, %iota3A, %broadcast_in_dim3A_40 : vector<256x64xi1>, vector<256x64xi32>
    %reduce_min3A = arith.constant dense<2147483647> : vector<256xi32>
    %reduce_min3A_42 = vector.multi_reduction <minsi>, %select_n3A_41, %reduce_min3A [1] : vector<256x64xi32> to vector<256xi32>
    %broadcast_in_dim3A_43 = vector.shape_cast %reduce_min3A_42 : vector<256xi32> to vector<256x1xi32>
    %eq3A_44 = vector.broadcast %broadcast_in_dim3A_43 : vector<256x1xi32> to vector<256x64xi32>
    %eq3A_45 = arith.cmpi eq, %iota3A, %eq3A_44 : vector<256x64xi32>
    %convert_element_type3A = arith.extui %eq3A_45 : vector<256x64xi1> to vector<256x64xi32>
    %convert_element_type3A_46 = arith.sitofp %convert_element_type3A : vector<256x64xi32> to vector<256x64xf32>
    %iota3A_47 = tpu.iota {dimensions = array<i32: 0>} : vector<256x256xi32>
    %iota3A_48 = tpu.iota {dimensions = array<i32: 1>} : vector<256x256xi32>
    %lt3A = arith.cmpi slt, %iota3A_48, %iota3A_47 : vector<256x256xi32>
    %convert_element_type3A_49 = arith.extui %lt3A : vector<256x256xi1> to vector<256x256xi32>
    %convert_element_type3A_50 = arith.sitofp %convert_element_type3A_49 : vector<256x256xi32> to vector<256x256xf32>
    %dot_general3A_51 = arith.constant dense<0.000000e+00> : vector<256x64xf32>
    %dot_general3A_52 = tpu.matmul %convert_element_type3A_50, %convert_element_type3A_46, %dot_general3A_51 {dimension_numbers = #tpu.dot_dimension_numbers<[1], [0], [0], [1], [0, 0, 1, 1], [], []>, transpose_lhs_hint = false} : vector<256x256xf32>, vector<256x64xf32>, vector<256x64xf32> -> vector<256x64xf32>
    %eq3A_53 = arith.constant 0 : i32
    %eq3A_54 = arith.cmpi eq, %arg0, %eq3A_53 : i32
    %broadcast_in_dim3A_55 = arith.constant 0.000000e+00 : f32
    %broadcast_in_dim3A_56 = vector.broadcast %broadcast_in_dim3A_55 : f32 to vector<1x64xf32>
    %get3A_57 = arith.constant 0 : index
    %get3A_58 = arith.constant 0 : index
    %get3A_59 = vector.load %arg7[%get3A_57, %get3A_58] : memref<1x64xf32, #tpu.memory_space<vmem>>, vector<1x64xf32>
    %select_n3A_60 = arith.select %eq3A_54, %broadcast_in_dim3A_56, %get3A_59 : vector<1x64xf32>
    %add3A_61 = vector.broadcast %select_n3A_60 : vector<1x64xf32> to vector<256x64xf32>
    %add3A_62 = arith.addf %dot_general3A_52, %add3A_61 : vector<256x64xf32>
    %mul3A_63 = arith.mulf %convert_element_type3A_46, %add3A_62 : vector<256x64xf32>
    %reduce_sum3A_64 = arith.constant dense<0.000000e+00> : vector<256xf32>
    %reduce_sum3A_65 = vector.multi_reduction <add>, %mul3A_63, %reduce_sum3A_64 [1] : vector<256x64xf32> to vector<256xf32>
    %broadcast_in_dim3A_66 = vector.shape_cast %reduce_sum3A_65 : vector<256xf32> to vector<256x1xf32>
    %reduce_sum3A_67 = arith.constant dense<0.000000e+00> : vector<64xf32>
    %reduce_sum3A_68 = vector.multi_reduction <add>, %convert_element_type3A_46, %reduce_sum3A_67 [0] : vector<256x64xf32> to vector<64xf32>
    %broadcast_in_dim3A_69 = vector.shape_cast %reduce_sum3A_68 : vector<64xf32> to vector<1x64xf32>
    %add3A_70 = arith.addf %select_n3A_60, %broadcast_in_dim3A_69 : vector<1x64xf32>
    %swap3A_71 = arith.constant 0 : index
    %swap3A_72 = arith.constant 0 : index
    %swap3A_73 = vector.load %arg7[%swap3A_71, %swap3A_72] : memref<1x64xf32, #tpu.memory_space<vmem>>, vector<1x64xf32>
    tpu.vector_store %arg7[%swap3A_71, %swap3A_72], %add3A_70 {strides = array<i32>} : memref<1x64xf32, #tpu.memory_space<vmem>>, vector<1x64xf32>,
    %mul3A_74 = arith.constant 256 : i32
    %mul3A_75 = arith.muli %arg0, %mul3A_74 : i32
    %swap3A_76 = arith.index_cast %mul3A_75 : i32 to index
    %swap3A_77 = arith.constant 0 : index
    %swap3A_78 = vector.load %arg4[%swap3A_76, %swap3A_77] : memref<2048x1xi32, #tpu.memory_space<vmem>>, vector<256x1xi32>
    tpu.vector_store %arg4[%swap3A_76, %swap3A_77], %broadcast_in_dim3A_43 {strides = array<i32>} : memref<2048x1xi32, #tpu.memory_space<vmem>>, vector<256x1xi32>,
    %convert_element_type3A_79 = arith.fptosi %broadcast_in_dim3A_66 : vector<256x1xf32> to vector<256x1xi32>
    %mul3A_80 = arith.constant 256 : i32
    %mul3A_81 = arith.muli %arg0, %mul3A_80 : i32
    %swap3A_82 = arith.index_cast %mul3A_81 : i32 to index
    %swap3A_83 = arith.constant 0 : index
    %swap3A_84 = vector.load %arg5[%swap3A_82, %swap3A_83] : memref<2048x1xi32, #tpu.memory_space<vmem>>, vector<256x1xi32>
    tpu.vector_store %arg5[%swap3A_82, %swap3A_83], %convert_element_type3A_79 {strides = array<i32>} : memref<2048x1xi32, #tpu.memory_space<vmem>>, vector<256x1xi32>,
    %eq3A_85 = arith.constant 7 : i32
    %eq3A_86 = arith.cmpi eq, %arg0, %eq3A_85 : i32
    %convert_element_type3A_87 = arith.extui %eq3A_86 : i1 to i32
    %cond3A = arith.constant 0 : i32
    %cond3A_88 = arith.cmpi ne, %convert_element_type3A_87, %cond3A : i32
    scf.if %cond3A_88 {
      %iota3A_89 = tpu.iota {dimensions = array<i32: 0>} : vector<64x64xi32>
      %iota3A_90 = tpu.iota {dimensions = array<i32: 1>} : vector<64x64xi32>
      %lt3A_91 = arith.cmpi slt, %iota3A_89, %iota3A_90 : vector<64x64xi32>
      %convert_element_type3A_92 = arith.extui %lt3A_91 : vector<64x64xi1> to vector<64x64xi32>
      %convert_element_type3A_93 = arith.sitofp %convert_element_type3A_92 : vector<64x64xi32> to vector<64x64xf32>
      %dot_general3A_94 = arith.constant dense<0.000000e+00> : vector<1x64xf32>
      %dot_general3A_95 = tpu.matmul %add3A_70, %convert_element_type3A_93, %dot_general3A_94 {dimension_numbers = #tpu.dot_dimension_numbers<[1], [0], [0], [1], [0, 0, 1, 1], [], []>, transpose_lhs_hint = false} : vector<1x64xf32>, vector<64x64xf32>, vector<1x64xf32> -> vector<1x64xf32>
      %swap3A_96 = arith.constant 0 : index
      %swap3A_97 = arith.constant 0 : index
      %swap3A_98 = vector.load %arg8[%swap3A_96, %swap3A_97] : memref<1x64xf32, #tpu.memory_space<vmem>>, vector<1x64xf32>
      tpu.vector_store %arg8[%swap3A_96, %swap3A_97], %dot_general3A_95 {strides = array<i32>} : memref<1x64xf32, #tpu.memory_space<vmem>>, vector<1x64xf32>,
      %add3A_99 = arith.addf %select_n3A, %broadcast_in_dim3A_28 : vector<1x64xf32>
      %div3A_100 = arith.constant 2.048000e+03 : f32
      %div3A_101 = vector.broadcast %div3A_100 : f32 to vector<1x64xf32>
      %div3A_102 = arith.divf %add3A_99, %div3A_101 : vector<1x64xf32>
      %div3A_103 = arith.constant 2.048000e+03 : f32
      %div3A_104 = vector.broadcast %div3A_103 : f32 to vector<1x64xf32>
      %div3A_105 = arith.divf %add3A_70, %div3A_104 : vector<1x64xf32>
      %mul3A_106 = arith.mulf %div3A_102, %div3A_105 : vector<1x64xf32>
      %reduce_sum3A_107 = vector.shape_cast %mul3A_106 : vector<1x64xf32> to vector<1x1x64xf32>
      %reduce_sum3A_108 = arith.constant dense<0.000000e+00> : vector<1xf32>
      %reduce_sum3A_109 = vector.multi_reduction <add>, %reduce_sum3A_107, %reduce_sum3A_108 [1, 2] : vector<1x1x64xf32> to vector<1xf32>
      %reduce_sum3A_110 = vector.shape_cast %reduce_sum3A_109 : vector<1xf32> to vector<1x1x1xf32>
      %reduce_sum3A_111 = vector.extract %reduce_sum3A_110[0, 0, 0] : f32 from vector<1x1x1xf32>
      %broadcast_in_dim3A_112 = vector.broadcast %reduce_sum3A_111 : f32 to vector<1x1xf32>
      %mul3A_113 = arith.constant 6.400000e+01 : f32
      %mul3A_114 = vector.broadcast %mul3A_113 : f32 to vector<1x1xf32>
      %mul3A_115 = arith.mulf %broadcast_in_dim3A_112, %mul3A_114 : vector<1x1xf32>
      %swap3A_116 = arith.constant 0 : index
      %swap3A_117 = arith.constant 0 : index
      %swap3A_118 = vector.load %arg9[%swap3A_116, %swap3A_117] : memref<1x1xf32, #tpu.memory_space<vmem>>, vector<1x1xf32>
      tpu.vector_store %arg9[%swap3A_116, %swap3A_117], %mul3A_115 {strides = array<i32>} : memref<1x1xf32, #tpu.memory_space<vmem>>, vector<1x1xf32>,
      %get3A_119 = arith.constant 0 : index
      %get3A_120 = arith.constant 0 : index
      %get3A_121 = vector.load %arg4[%get3A_119, %get3A_120] : memref<2048x1xi32, #tpu.memory_space<vmem>>, vector<2048x1xi32>
      %get3A_122 = arith.constant 0 : index
      %get3A_123 = arith.constant 0 : index
      %get3A_124 = vector.load %arg5[%get3A_122, %get3A_123] : memref<2048x1xi32, #tpu.memory_space<vmem>>, vector<2048x1xi32>
      %iota3A_125 = tpu.iota {dimensions = array<i32: 1>} : vector<2048x64xi32>
      %eq3A_126 = vector.broadcast %get3A_121 : vector<2048x1xi32> to vector<2048x64xi32>
      %eq3A_127 = arith.cmpi eq, %iota3A_125, %eq3A_126 : vector<2048x64xi32>
      %convert_element_type3A_128 = arith.extui %eq3A_127 : vector<2048x64xi1> to vector<2048x64xi32>
      %convert_element_type3A_129 = arith.sitofp %convert_element_type3A_128 : vector<2048x64xi32> to vector<2048x64xf32>
      %mul3A_130 = vector.broadcast %dot_general3A_95 : vector<1x64xf32> to vector<2048x64xf32>
      %mul3A_131 = arith.mulf %convert_element_type3A_129, %mul3A_130 : vector<2048x64xf32>
      %reduce_sum3A_132 = arith.constant dense<0.000000e+00> : vector<2048xf32>
      %reduce_sum3A_133 = vector.multi_reduction <add>, %mul3A_131, %reduce_sum3A_132 [1] : vector<2048x64xf32> to vector<2048xf32>
      %broadcast_in_dim3A_134 = vector.shape_cast %reduce_sum3A_133 : vector<2048xf32> to vector<2048x1xf32>
      %convert_element_type3A_135 = arith.fptosi %broadcast_in_dim3A_134 : vector<2048x1xf32> to vector<2048x1xi32>
      %add3A_136 = arith.addi %convert_element_type3A_135, %get3A_124 : vector<2048x1xi32>
      %swap3A_137 = arith.constant 0 : index
      %swap3A_138 = arith.constant 0 : index
      %swap3A_139 = vector.load %arg6[%swap3A_137, %swap3A_138] : memref<2048x1xi32, #tpu.memory_space<vmem>>, vector<2048x1xi32>
      tpu.vector_store %arg6[%swap3A_137, %swap3A_138], %add3A_136 {strides = array<i32>} : memref<2048x1xi32, #tpu.memory_space<vmem>>, vector<2048x1xi32>,
      %add3A_140 = arith.addf %dot_general3A_95, %add3A_70 : vector<1x64xf32>
      %div3A_141 = arith.constant 6.400000e+01 : f32
      %div3A_142 = vector.broadcast %div3A_141 : f32 to vector<1x64xf32>
      %div3A_143 = arith.divf %dot_general3A_95, %div3A_142 : vector<1x64xf32>
      %floor3A = math.floor %div3A_143 : vector<1x64xf32>
      %add3A_144 = arith.constant 6.300000e+01 : f32
      %add3A_145 = vector.broadcast %add3A_144 : f32 to vector<1x64xf32>
      %add3A_146 = arith.addf %add3A_140, %add3A_145 : vector<1x64xf32>
      %div3A_147 = arith.constant 6.400000e+01 : f32
      %div3A_148 = vector.broadcast %div3A_147 : f32 to vector<1x64xf32>
      %div3A_149 = arith.divf %add3A_146, %div3A_148 : vector<1x64xf32>
      %floor3A_150 = math.floor %div3A_149 : vector<1x64xf32>
      %gt3A = arith.constant 0.000000e+00 : f32
      %gt3A_151 = vector.broadcast %gt3A : f32 to vector<1x64xf32>
      %gt3A_152 = arith.cmpf ogt, %add3A_70, %gt3A_151 : vector<1x64xf32>
      %sub3A_153 = arith.subf %floor3A_150, %floor3A : vector<1x64xf32>
      %jit3A_154 = arith.constant 0.000000e+00 : f32
      %broadcast_in_dim3A_155 = vector.broadcast %jit3A_154 : f32 to vector<1x64xf32>
      %select_n3A_156 = arith.select %gt3A_152, %sub3A_153, %broadcast_in_dim3A_155 : vector<1x64xi1>, vector<1x64xf32>
      %dot_general3A_157 = arith.constant dense<0.000000e+00> : vector<1x64xf32>
      %dot_general3A_158 = tpu.matmul %select_n3A_156, %convert_element_type3A_93, %dot_general3A_157 {dimension_numbers = #tpu.dot_dimension_numbers<[1], [0], [0], [1], [0, 0, 1, 1], [], []>, transpose_lhs_hint = false} : vector<1x64xf32>, vector<64x64xf32>, vector<1x64xf32> -> vector<1x64xf32>
      %iota3A_159 = tpu.iota {dimensions = array<i32: 0>} : vector<96x1xi32>
      %convert_element_type3A_160 = arith.sitofp %iota3A_159 : vector<96x1xi32> to vector<96x1xf32>
      %le3A = vector.broadcast %dot_general3A_158 : vector<1x64xf32> to vector<96x64xf32>
      %le3A_161 = vector.broadcast %convert_element_type3A_160 : vector<96x1xf32> to vector<96x64xf32>
      %le3A_162 = arith.cmpf ole, %le3A, %le3A_161 : vector<96x64xf32>
      %convert_element_type3A_163 = arith.extui %le3A_162 : vector<96x64xi1> to vector<96x64xi32>
      %convert_element_type3A_164 = arith.sitofp %convert_element_type3A_163 : vector<96x64xi32> to vector<96x64xf32>
      %reduce_sum3A_165 = arith.constant dense<0.000000e+00> : vector<96xf32>
      %reduce_sum3A_166 = vector.multi_reduction <add>, %convert_element_type3A_164, %reduce_sum3A_165 [1] : vector<96x64xf32> to vector<96xf32>
      %broadcast_in_dim3A_167 = vector.shape_cast %reduce_sum3A_166 : vector<96xf32> to vector<96x1xf32>
      %sub3A_168 = arith.constant 1.000000e+00 : f32
      %sub3A_169 = vector.broadcast %sub3A_168 : f32 to vector<96x1xf32>
      %sub3A_170 = arith.subf %broadcast_in_dim3A_167, %sub3A_169 : vector<96x1xf32>
      %iota3A_171 = tpu.iota {dimensions = array<i32: 1>} : vector<96x64xi32>
      %convert_element_type3A_172 = arith.fptosi %sub3A_170 : vector<96x1xf32> to vector<96x1xi32>
      %eq3A_173 = vector.broadcast %convert_element_type3A_172 : vector<96x1xi32> to vector<96x64xi32>
      %eq3A_174 = arith.cmpi eq, %iota3A_171, %eq3A_173 : vector<96x64xi32>
      %convert_element_type3A_175 = arith.extui %eq3A_174 : vector<96x64xi1> to vector<96x64xi32>
      %convert_element_type3A_176 = arith.sitofp %convert_element_type3A_175 : vector<96x64xi32> to vector<96x64xf32>
      %mul3A_177 = vector.broadcast %floor3A : vector<1x64xf32> to vector<96x64xf32>
      %mul3A_178 = arith.mulf %convert_element_type3A_176, %mul3A_177 : vector<96x64xf32>
      %reduce_sum3A_179 = arith.constant dense<0.000000e+00> : vector<96xf32>
      %reduce_sum3A_180 = vector.multi_reduction <add>, %mul3A_178, %reduce_sum3A_179 [1] : vector<96x64xf32> to vector<96xf32>
      %broadcast_in_dim3A_181 = vector.shape_cast %reduce_sum3A_180 : vector<96xf32> to vector<96x1xf32>
      %mul3A_182 = vector.broadcast %dot_general3A_158 : vector<1x64xf32> to vector<96x64xf32>
      %mul3A_183 = arith.mulf %convert_element_type3A_176, %mul3A_182 : vector<96x64xf32>
      %reduce_sum3A_184 = arith.constant dense<0.000000e+00> : vector<96xf32>
      %reduce_sum3A_185 = vector.multi_reduction <add>, %mul3A_183, %reduce_sum3A_184 [1] : vector<96x64xf32> to vector<96xf32>
      %broadcast_in_dim3A_186 = vector.shape_cast %reduce_sum3A_185 : vector<96xf32> to vector<96x1xf32>
      %add3A_187 = arith.addf %broadcast_in_dim3A_181, %convert_element_type3A_160 : vector<96x1xf32>
      %sub3A_188 = arith.subf %add3A_187, %broadcast_in_dim3A_186 : vector<96x1xf32>
      %jit3A_189 = arith.constant 0.000000e+00 : f32
      %jit3A_190 = arith.constant 3.100000e+01 : f32
      %max3A = vector.broadcast %jit3A_189 : f32 to vector<96x1xf32>
      %max3A_191 = arith.maximumf %max3A, %sub3A_188 : vector<96x1xf32>
      %min3A = vector.broadcast %jit3A_190 : f32 to vector<96x1xf32>
      %min3A_192 = arith.minimumf %min3A, %max3A_191 : vector<96x1xf32>
      %convert_element_type3A_193 = arith.fptosi %sub3A_170 : vector<96x1xf32> to vector<96x1xi32>
      %swap3A_194 = arith.constant 0 : index
      %swap3A_195 = arith.constant 0 : index
      %swap3A_196 = vector.load %arg10[%swap3A_194, %swap3A_195] : memref<96x1xi32, #tpu.memory_space<vmem>>, vector<96x1xi32>
      tpu.vector_store %arg10[%swap3A_194, %swap3A_195], %convert_element_type3A_193 {strides = array<i32>} : memref<96x1xi32, #tpu.memory_space<vmem>>, vector<96x1xi32>,
      %convert_element_type3A_197 = arith.fptosi %min3A_192 : vector<96x1xf32> to vector<96x1xi32>
      %swap3A_198 = arith.constant 0 : index
      %swap3A_199 = arith.constant 0 : index
      %swap3A_200 = vector.load %arg11[%swap3A_198, %swap3A_199] : memref<96x1xi32, #tpu.memory_space<vmem>>, vector<96x1xi32>
      tpu.vector_store %arg11[%swap3A_198, %swap3A_199], %convert_element_type3A_197 {strides = array<i32>} : memref<96x1xi32, #tpu.memory_space<vmem>>, vector<96x1xi32>,
      %iota3A_201 = tpu.iota {dimensions = array<i32: 0>} : vector<32x64xi32>
      %iota3A_202 = tpu.iota {dimensions = array<i32: 1>} : vector<32x64xi32>
      %mul3A_203 = arith.constant 8 : i32
      %mul3A_204 = vector.broadcast %mul3A_203 : i32 to vector<32x64xi32>
      %mul3A_205 = arith.muli %mul3A_204, %iota3A_201 : vector<32x64xi32>
      %eq3A_206 = arith.cmpi eq, %iota3A_202, %mul3A_205 : vector<32x64xi32>
      %lt3A_207 = arith.constant 8 : i32
      %lt3A_208 = vector.broadcast %lt3A_207 : i32 to vector<32x64xi32>
      %lt3A_209 = arith.cmpi slt, %iota3A_201, %lt3A_208 : vector<32x64xi32>
      %and3A = arith.andi %eq3A_206, %lt3A_209 : vector<32x64xi1>
      %convert_element_type3A_210 = arith.extui %and3A : vector<32x64xi1> to vector<32x64xi32>
      %convert_element_type3A_211 = arith.sitofp %convert_element_type3A_210 : vector<32x64xi32> to vector<32x64xf32>
      %eq3A_212 = arith.constant 8 : i32
      %eq3A_213 = vector.broadcast %eq3A_212 : i32 to vector<32x64xi32>
      %eq3A_214 = arith.cmpi eq, %iota3A_201, %eq3A_213 : vector<32x64xi32>
      %convert_element_type3A_215 = arith.extui %eq3A_214 : vector<32x64xi1> to vector<32x64xi32>
      %convert_element_type3A_216 = arith.sitofp %convert_element_type3A_215 : vector<32x64xi32> to vector<32x64xf32>
      %mul3A_217 = vector.broadcast %dot_general3A_158 : vector<1x64xf32> to vector<32x64xf32>
      %mul3A_218 = arith.mulf %convert_element_type3A_211, %mul3A_217 : vector<32x64xf32>
      %reduce_sum3A_219 = arith.constant dense<0.000000e+00> : vector<32xf32>
      %reduce_sum3A_220 = vector.multi_reduction <add>, %mul3A_218, %reduce_sum3A_219 [1] : vector<32x64xf32> to vector<32xf32>
      %broadcast_in_dim3A_221 = vector.shape_cast %reduce_sum3A_220 : vector<32xf32> to vector<32x1xf32>
      %mul3A_222 = vector.broadcast %select_n3A_156 : vector<1x64xf32> to vector<32x64xf32>
      %mul3A_223 = arith.mulf %convert_element_type3A_216, %mul3A_222 : vector<32x64xf32>
      %reduce_sum3A_224 = arith.constant dense<0.000000e+00> : vector<32xf32>
      %reduce_sum3A_225 = vector.multi_reduction <add>, %mul3A_223, %reduce_sum3A_224 [1] : vector<32x64xf32> to vector<32xf32>
      %broadcast_in_dim3A_226 = vector.shape_cast %reduce_sum3A_225 : vector<32xf32> to vector<32x1xf32>
      %add3A_227 = arith.addf %broadcast_in_dim3A_221, %broadcast_in_dim3A_226 : vector<32x1xf32>
      %convert_element_type3A_228 = arith.fptosi %add3A_227 : vector<32x1xf32> to vector<32x1xi32>
      %swap3A_229 = arith.constant 0 : index
      %swap3A_230 = arith.constant 0 : index
      %swap3A_231 = vector.load %arg12[%swap3A_229, %swap3A_230] : memref<32x1xi32, #tpu.memory_space<vmem>>, vector<32x1xi32>
      tpu.vector_store %arg12[%swap3A_229, %swap3A_230], %convert_element_type3A_228 {strides = array<i32>} : memref<32x1xi32, #tpu.memory_space<vmem>>, vector<32x1xi32>,
    } else {
    }
    return
  }
  func.func @transform_0(%arg0: i32) -> (i32, i32) {
    %c0_i32 = arith.constant 0 : i32
    %c0_i32_0 = arith.constant 0 : i32
    return %arg0, %c0_i32 : i32, i32
  }
  func.func @transform_1(%arg0: i32) -> (i32, i32) {
    %c0_i32 = arith.constant 0 : i32
    %c0_i32_0 = arith.constant 0 : i32
    %c0_i32_1 = arith.constant 0 : i32
    return %c0_i32, %c0_i32_0 : i32, i32
  }
  func.func @transform_2(%arg0: i32) -> (i32, i32) {
    %c0_i32 = arith.constant 0 : i32
    %c0_i32_0 = arith.constant 0 : i32
    %c0_i32_1 = arith.constant 0 : i32
    return %c0_i32, %c0_i32_0 : i32, i32
  }
  func.func @transform_3(%arg0: i32) -> (i32, i32) {
    %c0_i32 = arith.constant 0 : i32
    %c0_i32_0 = arith.constant 0 : i32
    %c0_i32_1 = arith.constant 0 : i32
    return %c0_i32, %c0_i32_0 : i32, i32
  }
  func.func @transform_4(%arg0: i32) -> (i32, i32) {
    %c0_i32 = arith.constant 0 : i32
    %c0_i32_0 = arith.constant 0 : i32
    %c0_i32_1 = arith.constant 0 : i32
    return %c0_i32, %c0_i32_0 : i32, i32
  }
  func.func @transform_5(%arg0: i32) -> (i32, i32) {
    %c0_i32 = arith.constant 0 : i32
    %c0_i32_0 = arith.constant 0 : i32
    %c0_i32_1 = arith.constant 0 : i32
    return %c0_i32, %c0_i32_0 : i32, i32
  }
  func.func @transform_6(%arg0: i32) -> (i32, i32) {
    %c0_i32 = arith.constant 0 : i32
    %c0_i32_0 = arith.constant 0 : i32
    %c0_i32_1 = arith.constant 0 : i32
    return %c0_i32, %c0_i32_0 : i32, i32
  }
  func.func @transform_7(%arg0: i32) -> (i32, i32) {
    %c0_i32 = arith.constant 0 : i32
    %c0_i32_0 = arith.constant 0 : i32
    %c0_i32_1 = arith.constant 0 : i32
    return %c0_i32, %c0_i32_0 : i32, i32
  }
  func.func @transform_8(%arg0: i32) -> (i32, i32) {
    %c0_i32 = arith.constant 0 : i32
    %c0_i32_0 = arith.constant 0 : i32
    %c0_i32_1 = arith.constant 0 : i32
    return %c0_i32, %c0_i32_0 : i32, i32
  }
  func.func @transform_9(%arg0: i32) -> (i32, i32) {
    %c0_i32 = arith.constant 0 : i32
    %c0_i32_0 = arith.constant 0 : i32
    %c0_i32_1 = arith.constant 0 : i32
    return %c0_i32, %c0_i32_0 : i32, i32
  }
  func.func @transform_10(%arg0: i32) -> (i32, i32) {
    %c0_i32 = arith.constant 0 : i32
    %c0_i32_0 = arith.constant 0 : i32
    %c0_i32_1 = arith.constant 0 : i32
    return %c0_i32, %c0_i32_0 : i32, i32
  }
  func.func @transform_11(%arg0: i32) -> (i32, i32) {
    %c0_i32 = arith.constant 0 : i32
    %c0_i32_0 = arith.constant 0 : i32
    %c0_i32_1 = arith.constant 0 : i32
    return %c0_i32, %c0_i32_0 : i32, i32
  }
}

module attributes {stable_mosaic.version = 14 : i64} {
  func.func @_ffn_body(%arg0: i32, %arg1: memref<96xi32, #tpu.memory_space<smem>>, %arg2: memref<96xi32, #tpu.memory_space<smem>>, %arg3: memref<64xi32, #tpu.memory_space<smem>>, %arg4: memref<64xi32, #tpu.memory_space<smem>>, %arg5: memref<32xi32, #tpu.memory_space<smem>>, %arg6: memref<2048x1024xf32, #tpu.memory_space<vmem>>, %arg7: memref<8x64x1024xf32, #tpu.memory_space<vmem>>, %arg8: memref<8x64x1024xf32, #tpu.memory_space<vmem>>, %arg9: memref<8x64x1024xf32, #tpu.memory_space<vmem>>, %arg10: memref<8x64x1024xf32, #tpu.memory_space<vmem>>, %arg11: memref<8x1024x64xf32, #tpu.memory_space<vmem>>, %arg12: memref<8x1024x64xf32, #tpu.memory_space<vmem>>, %arg13: memref<2048x1024xf32, #tpu.memory_space<vmem>>) attributes {dimension_semantics = [#tpu.dimension_semantics<arbitrary>], iteration_bounds = array<i64: 4>, scalar_prefetch = 5 : i64, scratch_operands = 0 : i64, tpu.core_type = #tpu.core_type<tc>, window_params = [{pipeline_mode = #tpu.pipeline_mode<synchronous>, transform_indices = @transform_0, window_bounds = array<i64: 2048, 1024>}, {transform_indices = @transform_1, window_bounds = array<i64: 8, 64, 1024>}, {transform_indices = @transform_2, window_bounds = array<i64: 8, 64, 1024>}, {transform_indices = @transform_3, window_bounds = array<i64: 8, 64, 1024>}, {transform_indices = @transform_4, window_bounds = array<i64: 8, 64, 1024>}, {transform_indices = @transform_5, window_bounds = array<i64: 8, 1024, 64>}, {transform_indices = @transform_6, window_bounds = array<i64: 8, 1024, 64>}, {pipeline_mode = #tpu.pipeline_mode<synchronous>, transform_indices = @transform_7, window_bounds = array<i64: 2048, 1024>}]} {
    %mul3A = arith.constant 2 : i32
    %mul3A_0 = arith.muli %mul3A, %arg0 : i32
    %add3A = arith.constant 0 : i32
    %add3A_1 = arith.addi %mul3A_0, %add3A : i32
    %get3A = arith.index_cast %add3A_1 : i32 to index
    %get3A_2 = memref.load %arg5[%get3A] : memref<32xi32, #tpu.memory_space<smem>>
    %mul3A_3 = arith.constant 2 : i32
    %mul3A_4 = arith.muli %mul3A_3, %arg0 : i32
    %add3A_5 = arith.constant 0 : i32
    %add3A_6 = arith.addi %mul3A_4, %add3A_5 : i32
    %add3A_7 = arith.constant 1 : i32
    %add3A_8 = arith.addi %add3A_6, %add3A_7 : i32
    %get3A_9 = arith.index_cast %add3A_8 : i32 to index
    %get3A_10 = memref.load %arg5[%get3A_9] : memref<32xi32, #tpu.memory_space<smem>>
    %while3A = arith.constant 0 : i32
    %while3A_11 = arith.subi %get3A_10, %get3A_2 : i32
    %while3A_12 = arith.addi %get3A_2, %while3A_11 : i32
    %while3A_13 = arith.constant 1 : i32
    %while3A_14 = arith.divsi %while3A_11, %while3A_13 : i32
    %while3A_15 = arith.muli %while3A_14, %while3A_13 : i32
    %while3A_16 = arith.addi %get3A_2, %while3A_15 : i32
    %while3A_17 = arith.constant 1 : i32
    scf.for %while3A_42 = %get3A_2 to %while3A_16 step %while3A_17  : i32 {
      %get3A_43 = arith.index_cast %while3A_42 : i32 to index
      %get3A_44 = memref.load %arg1[%get3A_43] : memref<96xi32, #tpu.memory_space<smem>>
      %get3A_45 = arith.index_cast %while3A_42 : i32 to index
      %get3A_46 = memref.load %arg2[%get3A_45] : memref<96xi32, #tpu.memory_space<smem>>
      %get3A_47 = arith.index_cast %get3A_44 : i32 to index
      %get3A_48 = memref.load %arg3[%get3A_47] : memref<64xi32, #tpu.memory_space<smem>>
      %get3A_49 = arith.index_cast %get3A_44 : i32 to index
      %get3A_50 = memref.load %arg4[%get3A_49] : memref<64xi32, #tpu.memory_space<smem>>
      %mul3A_51 = arith.constant 16 : i32
      %mul3A_52 = arith.muli %arg0, %mul3A_51 : i32
      %add3A_53 = arith.constant 0 : i32
      %add3A_54 = arith.addi %mul3A_52, %add3A_53 : i32
      %sub3A = arith.subi %get3A_44, %add3A_54 : i32
      %mul3A_55 = arith.constant 64 : i32
      %mul3A_56 = arith.muli %get3A_46, %mul3A_55 : i32
      %get3A_57 = arith.index_cast %mul3A_56 : i32 to index
      %get3A_58 = arith.constant 0 : index
      %get3A_59 = vector.load %arg6[%get3A_57, %get3A_58] : memref<2048x1024xf32, #tpu.memory_space<vmem>>, vector<64x1024xf32>
      %get3A_60 = arith.index_cast %sub3A : i32 to index
      %get3A_61 = arith.constant 0 : index
      %get3A_62 = arith.constant 0 : index
      %get3A_63 = vector.load %arg7[%get3A_60, %get3A_61, %get3A_62] : memref<8x64x1024xf32, #tpu.memory_space<vmem>>, vector<1x64x1024xf32>
      %reshape3A = vector.shape_cast %get3A_63 : vector<1x64x1024xf32> to vector<64x1024xf32>
      %get3A_64 = arith.index_cast %sub3A : i32 to index
      %get3A_65 = arith.constant 0 : index
      %get3A_66 = arith.constant 0 : index
      %get3A_67 = vector.load %arg9[%get3A_64, %get3A_65, %get3A_66] : memref<8x64x1024xf32, #tpu.memory_space<vmem>>, vector<1x64x1024xf32>
      %reshape3A_68 = vector.shape_cast %get3A_67 : vector<1x64x1024xf32> to vector<64x1024xf32>
      %get3A_69 = arith.index_cast %sub3A : i32 to index
      %get3A_70 = arith.constant 0 : index
      %get3A_71 = arith.constant 0 : index
      %get3A_72 = vector.load %arg11[%get3A_69, %get3A_70, %get3A_71] : memref<8x1024x64xf32, #tpu.memory_space<vmem>>, vector<1x1024x64xf32>
      %reshape3A_73 = vector.shape_cast %get3A_72 : vector<1x1024x64xf32> to vector<1024x64xf32>
      %dot_general3A = arith.constant dense<0.000000e+00> : vector<64x64xf32>
      %dot_general3A_74 = tpu.matmul %get3A_59, %reshape3A, %dot_general3A {dimension_numbers = #tpu.dot_dimension_numbers<[1], [1], [0], [0], [0, 0, 1, 0], [], []>, transpose_lhs_hint = false} : vector<64x1024xf32>, vector<64x1024xf32>, vector<64x64xf32> -> vector<64x64xf32>
      %dot_general3A_75 = arith.constant dense<0.000000e+00> : vector<64x64xf32>
      %dot_general3A_76 = tpu.matmul %get3A_59, %reshape3A_68, %dot_general3A_75 {dimension_numbers = #tpu.dot_dimension_numbers<[1], [1], [0], [0], [0, 0, 1, 0], [], []>, transpose_lhs_hint = false} : vector<64x1024xf32>, vector<64x1024xf32>, vector<64x64xf32> -> vector<64x64xf32>
      %neg3A = arith.constant 0.000000e+00 : f32
      %neg3A_77 = vector.broadcast %neg3A : f32 to vector<64x64xf32>
      %neg3A_78 = arith.subf %neg3A_77, %dot_general3A_74 : vector<64x64xf32>
      %exp3A = math.exp %neg3A_78 : vector<64x64xf32>
      %add3A_79 = arith.constant 1.000000e+00 : f32
      %add3A_80 = vector.broadcast %add3A_79 : f32 to vector<64x64xf32>
      %add3A_81 = arith.addf %add3A_80, %exp3A : vector<64x64xf32>
      %div3A = arith.constant 1.000000e+00 : f32
      %div3A_82 = vector.broadcast %div3A : f32 to vector<64x64xf32>
      %div3A_83 = arith.divf %div3A_82, %add3A_81 : vector<64x64xf32>
      %mul3A_84 = arith.mulf %dot_general3A_74, %div3A_83 : vector<64x64xf32>
      %mul3A_85 = arith.mulf %mul3A_84, %dot_general3A_76 : vector<64x64xf32>
      %dot_general3A_86 = arith.constant dense<0.000000e+00> : vector<64x1024xf32>
      %dot_general3A_87 = tpu.matmul %mul3A_85, %reshape3A_73, %dot_general3A_86 {dimension_numbers = #tpu.dot_dimension_numbers<[1], [1], [0], [0], [0, 0, 1, 0], [], []>, transpose_lhs_hint = false} : vector<64x64xf32>, vector<1024x64xf32>, vector<64x1024xf32> -> vector<64x1024xf32>
      %mul3A_88 = arith.constant 6.400000e+01 : f32
      %mul3A_89 = vector.broadcast %mul3A_88 : f32 to vector<64x1024xf32>
      %mul3A_90 = arith.mulf %dot_general3A_87, %mul3A_89 : vector<64x1024xf32>
      %iota3A = tpu.iota {dimensions = array<i32: 0>} : vector<64x1xi32>
      %add3A_91 = vector.broadcast %mul3A_56 : i32 to vector<64x1xi32>
      %add3A_92 = arith.addi %add3A_91, %iota3A : vector<64x1xi32>
      %ge3A = vector.broadcast %get3A_48 : i32 to vector<64x1xi32>
      %ge3A_93 = arith.cmpi sge, %add3A_92, %ge3A : vector<64x1xi32>
      %add3A_94 = arith.addi %get3A_48, %get3A_50 : i32
      %lt3A = vector.broadcast %add3A_94 : i32 to vector<64x1xi32>
      %lt3A_95 = arith.cmpi slt, %add3A_92, %lt3A : vector<64x1xi32>
      %and3A = arith.andi %ge3A_93, %lt3A_95 : vector<64x1xi1>
      %get3A_96 = arith.index_cast %mul3A_56 : i32 to index
      %get3A_97 = arith.constant 0 : index
      %get3A_98 = vector.load %arg13[%get3A_96, %get3A_97] : memref<2048x1024xf32, #tpu.memory_space<vmem>>, vector<64x1024xf32>
      %broadcast_in_dim3A = vector.shape_cast %and3A : vector<64x1xi1> to vector<64x1xi1>
      %broadcast_in_dim3A_99 = vector.broadcast %broadcast_in_dim3A : vector<64x1xi1> to vector<64x1024xi1>
      %select_n3A = arith.select %broadcast_in_dim3A_99, %mul3A_90, %get3A_98 : vector<64x1024xi1>, vector<64x1024xf32>
      %swap3A = arith.index_cast %mul3A_56 : i32 to index
      %swap3A_100 = arith.constant 0 : index
      %swap3A_101 = vector.load %arg13[%swap3A, %swap3A_100] : memref<2048x1024xf32, #tpu.memory_space<vmem>>, vector<64x1024xf32>
      tpu.vector_store %arg13[%swap3A, %swap3A_100], %select_n3A {strides = array<i32>} : memref<2048x1024xf32, #tpu.memory_space<vmem>>, vector<64x1024xf32>,
    }
    %while3A_18 = arith.constant 1 : i32
    scf.for %while3A_42 = %while3A_16 to %while3A_12 step %while3A_18  : i32 {
      %get3A_43 = arith.index_cast %while3A_42 : i32 to index
      %get3A_44 = memref.load %arg1[%get3A_43] : memref<96xi32, #tpu.memory_space<smem>>
      %get3A_45 = arith.index_cast %while3A_42 : i32 to index
      %get3A_46 = memref.load %arg2[%get3A_45] : memref<96xi32, #tpu.memory_space<smem>>
      %get3A_47 = arith.index_cast %get3A_44 : i32 to index
      %get3A_48 = memref.load %arg3[%get3A_47] : memref<64xi32, #tpu.memory_space<smem>>
      %get3A_49 = arith.index_cast %get3A_44 : i32 to index
      %get3A_50 = memref.load %arg4[%get3A_49] : memref<64xi32, #tpu.memory_space<smem>>
      %mul3A_51 = arith.constant 16 : i32
      %mul3A_52 = arith.muli %arg0, %mul3A_51 : i32
      %add3A_53 = arith.constant 0 : i32
      %add3A_54 = arith.addi %mul3A_52, %add3A_53 : i32
      %sub3A = arith.subi %get3A_44, %add3A_54 : i32
      %mul3A_55 = arith.constant 64 : i32
      %mul3A_56 = arith.muli %get3A_46, %mul3A_55 : i32
      %get3A_57 = arith.index_cast %mul3A_56 : i32 to index
      %get3A_58 = arith.constant 0 : index
      %get3A_59 = vector.load %arg6[%get3A_57, %get3A_58] : memref<2048x1024xf32, #tpu.memory_space<vmem>>, vector<64x1024xf32>
      %get3A_60 = arith.index_cast %sub3A : i32 to index
      %get3A_61 = arith.constant 0 : index
      %get3A_62 = arith.constant 0 : index
      %get3A_63 = vector.load %arg7[%get3A_60, %get3A_61, %get3A_62] : memref<8x64x1024xf32, #tpu.memory_space<vmem>>, vector<1x64x1024xf32>
      %reshape3A = vector.shape_cast %get3A_63 : vector<1x64x1024xf32> to vector<64x1024xf32>
      %get3A_64 = arith.index_cast %sub3A : i32 to index
      %get3A_65 = arith.constant 0 : index
      %get3A_66 = arith.constant 0 : index
      %get3A_67 = vector.load %arg9[%get3A_64, %get3A_65, %get3A_66] : memref<8x64x1024xf32, #tpu.memory_space<vmem>>, vector<1x64x1024xf32>
      %reshape3A_68 = vector.shape_cast %get3A_67 : vector<1x64x1024xf32> to vector<64x1024xf32>
      %get3A_69 = arith.index_cast %sub3A : i32 to index
      %get3A_70 = arith.constant 0 : index
      %get3A_71 = arith.constant 0 : index
      %get3A_72 = vector.load %arg11[%get3A_69, %get3A_70, %get3A_71] : memref<8x1024x64xf32, #tpu.memory_space<vmem>>, vector<1x1024x64xf32>
      %reshape3A_73 = vector.shape_cast %get3A_72 : vector<1x1024x64xf32> to vector<1024x64xf32>
      %dot_general3A = arith.constant dense<0.000000e+00> : vector<64x64xf32>
      %dot_general3A_74 = tpu.matmul %get3A_59, %reshape3A, %dot_general3A {dimension_numbers = #tpu.dot_dimension_numbers<[1], [1], [0], [0], [0, 0, 1, 0], [], []>, transpose_lhs_hint = false} : vector<64x1024xf32>, vector<64x1024xf32>, vector<64x64xf32> -> vector<64x64xf32>
      %dot_general3A_75 = arith.constant dense<0.000000e+00> : vector<64x64xf32>
      %dot_general3A_76 = tpu.matmul %get3A_59, %reshape3A_68, %dot_general3A_75 {dimension_numbers = #tpu.dot_dimension_numbers<[1], [1], [0], [0], [0, 0, 1, 0], [], []>, transpose_lhs_hint = false} : vector<64x1024xf32>, vector<64x1024xf32>, vector<64x64xf32> -> vector<64x64xf32>
      %neg3A = arith.constant 0.000000e+00 : f32
      %neg3A_77 = vector.broadcast %neg3A : f32 to vector<64x64xf32>
      %neg3A_78 = arith.subf %neg3A_77, %dot_general3A_74 : vector<64x64xf32>
      %exp3A = math.exp %neg3A_78 : vector<64x64xf32>
      %add3A_79 = arith.constant 1.000000e+00 : f32
      %add3A_80 = vector.broadcast %add3A_79 : f32 to vector<64x64xf32>
      %add3A_81 = arith.addf %add3A_80, %exp3A : vector<64x64xf32>
      %div3A = arith.constant 1.000000e+00 : f32
      %div3A_82 = vector.broadcast %div3A : f32 to vector<64x64xf32>
      %div3A_83 = arith.divf %div3A_82, %add3A_81 : vector<64x64xf32>
      %mul3A_84 = arith.mulf %dot_general3A_74, %div3A_83 : vector<64x64xf32>
      %mul3A_85 = arith.mulf %mul3A_84, %dot_general3A_76 : vector<64x64xf32>
      %dot_general3A_86 = arith.constant dense<0.000000e+00> : vector<64x1024xf32>
      %dot_general3A_87 = tpu.matmul %mul3A_85, %reshape3A_73, %dot_general3A_86 {dimension_numbers = #tpu.dot_dimension_numbers<[1], [1], [0], [0], [0, 0, 1, 0], [], []>, transpose_lhs_hint = false} : vector<64x64xf32>, vector<1024x64xf32>, vector<64x1024xf32> -> vector<64x1024xf32>
      %mul3A_88 = arith.constant 6.400000e+01 : f32
      %mul3A_89 = vector.broadcast %mul3A_88 : f32 to vector<64x1024xf32>
      %mul3A_90 = arith.mulf %dot_general3A_87, %mul3A_89 : vector<64x1024xf32>
      %iota3A = tpu.iota {dimensions = array<i32: 0>} : vector<64x1xi32>
      %add3A_91 = vector.broadcast %mul3A_56 : i32 to vector<64x1xi32>
      %add3A_92 = arith.addi %add3A_91, %iota3A : vector<64x1xi32>
      %ge3A = vector.broadcast %get3A_48 : i32 to vector<64x1xi32>
      %ge3A_93 = arith.cmpi sge, %add3A_92, %ge3A : vector<64x1xi32>
      %add3A_94 = arith.addi %get3A_48, %get3A_50 : i32
      %lt3A = vector.broadcast %add3A_94 : i32 to vector<64x1xi32>
      %lt3A_95 = arith.cmpi slt, %add3A_92, %lt3A : vector<64x1xi32>
      %and3A = arith.andi %ge3A_93, %lt3A_95 : vector<64x1xi1>
      %get3A_96 = arith.index_cast %mul3A_56 : i32 to index
      %get3A_97 = arith.constant 0 : index
      %get3A_98 = vector.load %arg13[%get3A_96, %get3A_97] : memref<2048x1024xf32, #tpu.memory_space<vmem>>, vector<64x1024xf32>
      %broadcast_in_dim3A = vector.shape_cast %and3A : vector<64x1xi1> to vector<64x1xi1>
      %broadcast_in_dim3A_99 = vector.broadcast %broadcast_in_dim3A : vector<64x1xi1> to vector<64x1024xi1>
      %select_n3A = arith.select %broadcast_in_dim3A_99, %mul3A_90, %get3A_98 : vector<64x1024xi1>, vector<64x1024xf32>
      %swap3A = arith.index_cast %mul3A_56 : i32 to index
      %swap3A_100 = arith.constant 0 : index
      %swap3A_101 = vector.load %arg13[%swap3A, %swap3A_100] : memref<2048x1024xf32, #tpu.memory_space<vmem>>, vector<64x1024xf32>
      tpu.vector_store %arg13[%swap3A, %swap3A_100], %select_n3A {strides = array<i32>} : memref<2048x1024xf32, #tpu.memory_space<vmem>>, vector<64x1024xf32>,
    }
    %mul3A_19 = arith.constant 2 : i32
    %mul3A_20 = arith.muli %mul3A_19, %arg0 : i32
    %add3A_21 = arith.constant 1 : i32
    %add3A_22 = arith.addi %mul3A_20, %add3A_21 : i32
    %get3A_23 = arith.index_cast %add3A_22 : i32 to index
    %get3A_24 = memref.load %arg5[%get3A_23] : memref<32xi32, #tpu.memory_space<smem>>
    %mul3A_25 = arith.constant 2 : i32
    %mul3A_26 = arith.muli %mul3A_25, %arg0 : i32
    %add3A_27 = arith.constant 1 : i32
    %add3A_28 = arith.addi %mul3A_26, %add3A_27 : i32
    %add3A_29 = arith.constant 1 : i32
    %add3A_30 = arith.addi %add3A_28, %add3A_29 : i32
    %get3A_31 = arith.index_cast %add3A_30 : i32 to index
    %get3A_32 = memref.load %arg5[%get3A_31] : memref<32xi32, #tpu.memory_space<smem>>
    %while3A_33 = arith.constant 0 : i32
    %while3A_34 = arith.subi %get3A_32, %get3A_24 : i32
    %while3A_35 = arith.addi %get3A_24, %while3A_34 : i32
    %while3A_36 = arith.constant 1 : i32
    %while3A_37 = arith.divsi %while3A_34, %while3A_36 : i32
    %while3A_38 = arith.muli %while3A_37, %while3A_36 : i32
    %while3A_39 = arith.addi %get3A_24, %while3A_38 : i32
    %while3A_40 = arith.constant 1 : i32
    scf.for %while3A_42 = %get3A_24 to %while3A_39 step %while3A_40  : i32 {
      %get3A_43 = arith.index_cast %while3A_42 : i32 to index
      %get3A_44 = memref.load %arg1[%get3A_43] : memref<96xi32, #tpu.memory_space<smem>>
      %get3A_45 = arith.index_cast %while3A_42 : i32 to index
      %get3A_46 = memref.load %arg2[%get3A_45] : memref<96xi32, #tpu.memory_space<smem>>
      %get3A_47 = arith.index_cast %get3A_44 : i32 to index
      %get3A_48 = memref.load %arg3[%get3A_47] : memref<64xi32, #tpu.memory_space<smem>>
      %get3A_49 = arith.index_cast %get3A_44 : i32 to index
      %get3A_50 = memref.load %arg4[%get3A_49] : memref<64xi32, #tpu.memory_space<smem>>
      %mul3A_51 = arith.constant 16 : i32
      %mul3A_52 = arith.muli %arg0, %mul3A_51 : i32
      %add3A_53 = arith.constant 8 : i32
      %add3A_54 = arith.addi %mul3A_52, %add3A_53 : i32
      %sub3A = arith.subi %get3A_44, %add3A_54 : i32
      %mul3A_55 = arith.constant 64 : i32
      %mul3A_56 = arith.muli %get3A_46, %mul3A_55 : i32
      %get3A_57 = arith.index_cast %mul3A_56 : i32 to index
      %get3A_58 = arith.constant 0 : index
      %get3A_59 = vector.load %arg6[%get3A_57, %get3A_58] : memref<2048x1024xf32, #tpu.memory_space<vmem>>, vector<64x1024xf32>
      %get3A_60 = arith.index_cast %sub3A : i32 to index
      %get3A_61 = arith.constant 0 : index
      %get3A_62 = arith.constant 0 : index
      %get3A_63 = vector.load %arg8[%get3A_60, %get3A_61, %get3A_62] : memref<8x64x1024xf32, #tpu.memory_space<vmem>>, vector<1x64x1024xf32>
      %reshape3A = vector.shape_cast %get3A_63 : vector<1x64x1024xf32> to vector<64x1024xf32>
      %get3A_64 = arith.index_cast %sub3A : i32 to index
      %get3A_65 = arith.constant 0 : index
      %get3A_66 = arith.constant 0 : index
      %get3A_67 = vector.load %arg10[%get3A_64, %get3A_65, %get3A_66] : memref<8x64x1024xf32, #tpu.memory_space<vmem>>, vector<1x64x1024xf32>
      %reshape3A_68 = vector.shape_cast %get3A_67 : vector<1x64x1024xf32> to vector<64x1024xf32>
      %get3A_69 = arith.index_cast %sub3A : i32 to index
      %get3A_70 = arith.constant 0 : index
      %get3A_71 = arith.constant 0 : index
      %get3A_72 = vector.load %arg12[%get3A_69, %get3A_70, %get3A_71] : memref<8x1024x64xf32, #tpu.memory_space<vmem>>, vector<1x1024x64xf32>
      %reshape3A_73 = vector.shape_cast %get3A_72 : vector<1x1024x64xf32> to vector<1024x64xf32>
      %dot_general3A = arith.constant dense<0.000000e+00> : vector<64x64xf32>
      %dot_general3A_74 = tpu.matmul %get3A_59, %reshape3A, %dot_general3A {dimension_numbers = #tpu.dot_dimension_numbers<[1], [1], [0], [0], [0, 0, 1, 0], [], []>, transpose_lhs_hint = false} : vector<64x1024xf32>, vector<64x1024xf32>, vector<64x64xf32> -> vector<64x64xf32>
      %dot_general3A_75 = arith.constant dense<0.000000e+00> : vector<64x64xf32>
      %dot_general3A_76 = tpu.matmul %get3A_59, %reshape3A_68, %dot_general3A_75 {dimension_numbers = #tpu.dot_dimension_numbers<[1], [1], [0], [0], [0, 0, 1, 0], [], []>, transpose_lhs_hint = false} : vector<64x1024xf32>, vector<64x1024xf32>, vector<64x64xf32> -> vector<64x64xf32>
      %neg3A = arith.constant 0.000000e+00 : f32
      %neg3A_77 = vector.broadcast %neg3A : f32 to vector<64x64xf32>
      %neg3A_78 = arith.subf %neg3A_77, %dot_general3A_74 : vector<64x64xf32>
      %exp3A = math.exp %neg3A_78 : vector<64x64xf32>
      %add3A_79 = arith.constant 1.000000e+00 : f32
      %add3A_80 = vector.broadcast %add3A_79 : f32 to vector<64x64xf32>
      %add3A_81 = arith.addf %add3A_80, %exp3A : vector<64x64xf32>
      %div3A = arith.constant 1.000000e+00 : f32
      %div3A_82 = vector.broadcast %div3A : f32 to vector<64x64xf32>
      %div3A_83 = arith.divf %div3A_82, %add3A_81 : vector<64x64xf32>
      %mul3A_84 = arith.mulf %dot_general3A_74, %div3A_83 : vector<64x64xf32>
      %mul3A_85 = arith.mulf %mul3A_84, %dot_general3A_76 : vector<64x64xf32>
      %dot_general3A_86 = arith.constant dense<0.000000e+00> : vector<64x1024xf32>
      %dot_general3A_87 = tpu.matmul %mul3A_85, %reshape3A_73, %dot_general3A_86 {dimension_numbers = #tpu.dot_dimension_numbers<[1], [1], [0], [0], [0, 0, 1, 0], [], []>, transpose_lhs_hint = false} : vector<64x64xf32>, vector<1024x64xf32>, vector<64x1024xf32> -> vector<64x1024xf32>
      %mul3A_88 = arith.constant 6.400000e+01 : f32
      %mul3A_89 = vector.broadcast %mul3A_88 : f32 to vector<64x1024xf32>
      %mul3A_90 = arith.mulf %dot_general3A_87, %mul3A_89 : vector<64x1024xf32>
      %iota3A = tpu.iota {dimensions = array<i32: 0>} : vector<64x1xi32>
      %add3A_91 = vector.broadcast %mul3A_56 : i32 to vector<64x1xi32>
      %add3A_92 = arith.addi %add3A_91, %iota3A : vector<64x1xi32>
      %ge3A = vector.broadcast %get3A_48 : i32 to vector<64x1xi32>
      %ge3A_93 = arith.cmpi sge, %add3A_92, %ge3A : vector<64x1xi32>
      %add3A_94 = arith.addi %get3A_48, %get3A_50 : i32
      %lt3A = vector.broadcast %add3A_94 : i32 to vector<64x1xi32>
      %lt3A_95 = arith.cmpi slt, %add3A_92, %lt3A : vector<64x1xi32>
      %and3A = arith.andi %ge3A_93, %lt3A_95 : vector<64x1xi1>
      %get3A_96 = arith.index_cast %mul3A_56 : i32 to index
      %get3A_97 = arith.constant 0 : index
      %get3A_98 = vector.load %arg13[%get3A_96, %get3A_97] : memref<2048x1024xf32, #tpu.memory_space<vmem>>, vector<64x1024xf32>
      %broadcast_in_dim3A = vector.shape_cast %and3A : vector<64x1xi1> to vector<64x1xi1>
      %broadcast_in_dim3A_99 = vector.broadcast %broadcast_in_dim3A : vector<64x1xi1> to vector<64x1024xi1>
      %select_n3A = arith.select %broadcast_in_dim3A_99, %mul3A_90, %get3A_98 : vector<64x1024xi1>, vector<64x1024xf32>
      %swap3A = arith.index_cast %mul3A_56 : i32 to index
      %swap3A_100 = arith.constant 0 : index
      %swap3A_101 = vector.load %arg13[%swap3A, %swap3A_100] : memref<2048x1024xf32, #tpu.memory_space<vmem>>, vector<64x1024xf32>
      tpu.vector_store %arg13[%swap3A, %swap3A_100], %select_n3A {strides = array<i32>} : memref<2048x1024xf32, #tpu.memory_space<vmem>>, vector<64x1024xf32>,
    }
    %while3A_41 = arith.constant 1 : i32
    scf.for %while3A_42 = %while3A_39 to %while3A_35 step %while3A_41  : i32 {
      %get3A_43 = arith.index_cast %while3A_42 : i32 to index
      %get3A_44 = memref.load %arg1[%get3A_43] : memref<96xi32, #tpu.memory_space<smem>>
      %get3A_45 = arith.index_cast %while3A_42 : i32 to index
      %get3A_46 = memref.load %arg2[%get3A_45] : memref<96xi32, #tpu.memory_space<smem>>
      %get3A_47 = arith.index_cast %get3A_44 : i32 to index
      %get3A_48 = memref.load %arg3[%get3A_47] : memref<64xi32, #tpu.memory_space<smem>>
      %get3A_49 = arith.index_cast %get3A_44 : i32 to index
      %get3A_50 = memref.load %arg4[%get3A_49] : memref<64xi32, #tpu.memory_space<smem>>
      %mul3A_51 = arith.constant 16 : i32
      %mul3A_52 = arith.muli %arg0, %mul3A_51 : i32
      %add3A_53 = arith.constant 8 : i32
      %add3A_54 = arith.addi %mul3A_52, %add3A_53 : i32
      %sub3A = arith.subi %get3A_44, %add3A_54 : i32
      %mul3A_55 = arith.constant 64 : i32
      %mul3A_56 = arith.muli %get3A_46, %mul3A_55 : i32
      %get3A_57 = arith.index_cast %mul3A_56 : i32 to index
      %get3A_58 = arith.constant 0 : index
      %get3A_59 = vector.load %arg6[%get3A_57, %get3A_58] : memref<2048x1024xf32, #tpu.memory_space<vmem>>, vector<64x1024xf32>
      %get3A_60 = arith.index_cast %sub3A : i32 to index
      %get3A_61 = arith.constant 0 : index
      %get3A_62 = arith.constant 0 : index
      %get3A_63 = vector.load %arg8[%get3A_60, %get3A_61, %get3A_62] : memref<8x64x1024xf32, #tpu.memory_space<vmem>>, vector<1x64x1024xf32>
      %reshape3A = vector.shape_cast %get3A_63 : vector<1x64x1024xf32> to vector<64x1024xf32>
      %get3A_64 = arith.index_cast %sub3A : i32 to index
      %get3A_65 = arith.constant 0 : index
      %get3A_66 = arith.constant 0 : index
      %get3A_67 = vector.load %arg10[%get3A_64, %get3A_65, %get3A_66] : memref<8x64x1024xf32, #tpu.memory_space<vmem>>, vector<1x64x1024xf32>
      %reshape3A_68 = vector.shape_cast %get3A_67 : vector<1x64x1024xf32> to vector<64x1024xf32>
      %get3A_69 = arith.index_cast %sub3A : i32 to index
      %get3A_70 = arith.constant 0 : index
      %get3A_71 = arith.constant 0 : index
      %get3A_72 = vector.load %arg12[%get3A_69, %get3A_70, %get3A_71] : memref<8x1024x64xf32, #tpu.memory_space<vmem>>, vector<1x1024x64xf32>
      %reshape3A_73 = vector.shape_cast %get3A_72 : vector<1x1024x64xf32> to vector<1024x64xf32>
      %dot_general3A = arith.constant dense<0.000000e+00> : vector<64x64xf32>
      %dot_general3A_74 = tpu.matmul %get3A_59, %reshape3A, %dot_general3A {dimension_numbers = #tpu.dot_dimension_numbers<[1], [1], [0], [0], [0, 0, 1, 0], [], []>, transpose_lhs_hint = false} : vector<64x1024xf32>, vector<64x1024xf32>, vector<64x64xf32> -> vector<64x64xf32>
      %dot_general3A_75 = arith.constant dense<0.000000e+00> : vector<64x64xf32>
      %dot_general3A_76 = tpu.matmul %get3A_59, %reshape3A_68, %dot_general3A_75 {dimension_numbers = #tpu.dot_dimension_numbers<[1], [1], [0], [0], [0, 0, 1, 0], [], []>, transpose_lhs_hint = false} : vector<64x1024xf32>, vector<64x1024xf32>, vector<64x64xf32> -> vector<64x64xf32>
      %neg3A = arith.constant 0.000000e+00 : f32
      %neg3A_77 = vector.broadcast %neg3A : f32 to vector<64x64xf32>
      %neg3A_78 = arith.subf %neg3A_77, %dot_general3A_74 : vector<64x64xf32>
      %exp3A = math.exp %neg3A_78 : vector<64x64xf32>
      %add3A_79 = arith.constant 1.000000e+00 : f32
      %add3A_80 = vector.broadcast %add3A_79 : f32 to vector<64x64xf32>
      %add3A_81 = arith.addf %add3A_80, %exp3A : vector<64x64xf32>
      %div3A = arith.constant 1.000000e+00 : f32
      %div3A_82 = vector.broadcast %div3A : f32 to vector<64x64xf32>
      %div3A_83 = arith.divf %div3A_82, %add3A_81 : vector<64x64xf32>
      %mul3A_84 = arith.mulf %dot_general3A_74, %div3A_83 : vector<64x64xf32>
      %mul3A_85 = arith.mulf %mul3A_84, %dot_general3A_76 : vector<64x64xf32>
      %dot_general3A_86 = arith.constant dense<0.000000e+00> : vector<64x1024xf32>
      %dot_general3A_87 = tpu.matmul %mul3A_85, %reshape3A_73, %dot_general3A_86 {dimension_numbers = #tpu.dot_dimension_numbers<[1], [1], [0], [0], [0, 0, 1, 0], [], []>, transpose_lhs_hint = false} : vector<64x64xf32>, vector<1024x64xf32>, vector<64x1024xf32> -> vector<64x1024xf32>
      %mul3A_88 = arith.constant 6.400000e+01 : f32
      %mul3A_89 = vector.broadcast %mul3A_88 : f32 to vector<64x1024xf32>
      %mul3A_90 = arith.mulf %dot_general3A_87, %mul3A_89 : vector<64x1024xf32>
      %iota3A = tpu.iota {dimensions = array<i32: 0>} : vector<64x1xi32>
      %add3A_91 = vector.broadcast %mul3A_56 : i32 to vector<64x1xi32>
      %add3A_92 = arith.addi %add3A_91, %iota3A : vector<64x1xi32>
      %ge3A = vector.broadcast %get3A_48 : i32 to vector<64x1xi32>
      %ge3A_93 = arith.cmpi sge, %add3A_92, %ge3A : vector<64x1xi32>
      %add3A_94 = arith.addi %get3A_48, %get3A_50 : i32
      %lt3A = vector.broadcast %add3A_94 : i32 to vector<64x1xi32>
      %lt3A_95 = arith.cmpi slt, %add3A_92, %lt3A : vector<64x1xi32>
      %and3A = arith.andi %ge3A_93, %lt3A_95 : vector<64x1xi1>
      %get3A_96 = arith.index_cast %mul3A_56 : i32 to index
      %get3A_97 = arith.constant 0 : index
      %get3A_98 = vector.load %arg13[%get3A_96, %get3A_97] : memref<2048x1024xf32, #tpu.memory_space<vmem>>, vector<64x1024xf32>
      %broadcast_in_dim3A = vector.shape_cast %and3A : vector<64x1xi1> to vector<64x1xi1>
      %broadcast_in_dim3A_99 = vector.broadcast %broadcast_in_dim3A : vector<64x1xi1> to vector<64x1024xi1>
      %select_n3A = arith.select %broadcast_in_dim3A_99, %mul3A_90, %get3A_98 : vector<64x1024xi1>, vector<64x1024xf32>
      %swap3A = arith.index_cast %mul3A_56 : i32 to index
      %swap3A_100 = arith.constant 0 : index
      %swap3A_101 = vector.load %arg13[%swap3A, %swap3A_100] : memref<2048x1024xf32, #tpu.memory_space<vmem>>, vector<64x1024xf32>
      tpu.vector_store %arg13[%swap3A, %swap3A_100], %select_n3A {strides = array<i32>} : memref<2048x1024xf32, #tpu.memory_space<vmem>>, vector<64x1024xf32>,
    }
    return
  }
  func.func @transform_0(%arg0: i32, %arg1: memref<96xi32, #tpu.memory_space<smem>>, %arg2: memref<96xi32, #tpu.memory_space<smem>>, %arg3: memref<64xi32, #tpu.memory_space<smem>>, %arg4: memref<64xi32, #tpu.memory_space<smem>>, %arg5: memref<32xi32, #tpu.memory_space<smem>>) -> (i32, i32) {
    %c0_i32 = arith.constant 0 : i32
    %c0_i32_0 = arith.constant 0 : i32
    %c0_i32_1 = arith.constant 0 : i32
    return %c0_i32, %c0_i32_0 : i32, i32
  }
  func.func @transform_1(%arg0: i32, %arg1: memref<96xi32, #tpu.memory_space<smem>>, %arg2: memref<96xi32, #tpu.memory_space<smem>>, %arg3: memref<64xi32, #tpu.memory_space<smem>>, %arg4: memref<64xi32, #tpu.memory_space<smem>>, %arg5: memref<32xi32, #tpu.memory_space<smem>>) -> (i32, i32, i32) {
    %mul3A = arith.constant 2 : i32
    %mul3A_0 = arith.muli %mul3A, %arg0 : i32
    %c0_i32 = arith.constant 0 : i32
    %c0_i32_1 = arith.constant 0 : i32
    %c0_i32_2 = arith.constant 0 : i32
    return %mul3A_0, %c0_i32, %c0_i32_1 : i32, i32, i32
  }
  func.func @transform_2(%arg0: i32, %arg1: memref<96xi32, #tpu.memory_space<smem>>, %arg2: memref<96xi32, #tpu.memory_space<smem>>, %arg3: memref<64xi32, #tpu.memory_space<smem>>, %arg4: memref<64xi32, #tpu.memory_space<smem>>, %arg5: memref<32xi32, #tpu.memory_space<smem>>) -> (i32, i32, i32) {
    %mul3A = arith.constant 2 : i32
    %mul3A_0 = arith.muli %mul3A, %arg0 : i32
    %add3A = arith.constant 1 : i32
    %add3A_1 = arith.addi %mul3A_0, %add3A : i32
    %c0_i32 = arith.constant 0 : i32
    %c0_i32_2 = arith.constant 0 : i32
    %c0_i32_3 = arith.constant 0 : i32
    return %add3A_1, %c0_i32, %c0_i32_2 : i32, i32, i32
  }
  func.func @transform_3(%arg0: i32, %arg1: memref<96xi32, #tpu.memory_space<smem>>, %arg2: memref<96xi32, #tpu.memory_space<smem>>, %arg3: memref<64xi32, #tpu.memory_space<smem>>, %arg4: memref<64xi32, #tpu.memory_space<smem>>, %arg5: memref<32xi32, #tpu.memory_space<smem>>) -> (i32, i32, i32) {
    %mul3A = arith.constant 2 : i32
    %mul3A_0 = arith.muli %mul3A, %arg0 : i32
    %c0_i32 = arith.constant 0 : i32
    %c0_i32_1 = arith.constant 0 : i32
    %c0_i32_2 = arith.constant 0 : i32
    return %mul3A_0, %c0_i32, %c0_i32_1 : i32, i32, i32
  }
  func.func @transform_4(%arg0: i32, %arg1: memref<96xi32, #tpu.memory_space<smem>>, %arg2: memref<96xi32, #tpu.memory_space<smem>>, %arg3: memref<64xi32, #tpu.memory_space<smem>>, %arg4: memref<64xi32, #tpu.memory_space<smem>>, %arg5: memref<32xi32, #tpu.memory_space<smem>>) -> (i32, i32, i32) {
    %mul3A = arith.constant 2 : i32
    %mul3A_0 = arith.muli %mul3A, %arg0 : i32
    %add3A = arith.constant 1 : i32
    %add3A_1 = arith.addi %mul3A_0, %add3A : i32
    %c0_i32 = arith.constant 0 : i32
    %c0_i32_2 = arith.constant 0 : i32
    %c0_i32_3 = arith.constant 0 : i32
    return %add3A_1, %c0_i32, %c0_i32_2 : i32, i32, i32
  }
  func.func @transform_5(%arg0: i32, %arg1: memref<96xi32, #tpu.memory_space<smem>>, %arg2: memref<96xi32, #tpu.memory_space<smem>>, %arg3: memref<64xi32, #tpu.memory_space<smem>>, %arg4: memref<64xi32, #tpu.memory_space<smem>>, %arg5: memref<32xi32, #tpu.memory_space<smem>>) -> (i32, i32, i32) {
    %mul3A = arith.constant 2 : i32
    %mul3A_0 = arith.muli %mul3A, %arg0 : i32
    %c0_i32 = arith.constant 0 : i32
    %c0_i32_1 = arith.constant 0 : i32
    %c0_i32_2 = arith.constant 0 : i32
    return %mul3A_0, %c0_i32, %c0_i32_1 : i32, i32, i32
  }
  func.func @transform_6(%arg0: i32, %arg1: memref<96xi32, #tpu.memory_space<smem>>, %arg2: memref<96xi32, #tpu.memory_space<smem>>, %arg3: memref<64xi32, #tpu.memory_space<smem>>, %arg4: memref<64xi32, #tpu.memory_space<smem>>, %arg5: memref<32xi32, #tpu.memory_space<smem>>) -> (i32, i32, i32) {
    %mul3A = arith.constant 2 : i32
    %mul3A_0 = arith.muli %mul3A, %arg0 : i32
    %add3A = arith.constant 1 : i32
    %add3A_1 = arith.addi %mul3A_0, %add3A : i32
    %c0_i32 = arith.constant 0 : i32
    %c0_i32_2 = arith.constant 0 : i32
    %c0_i32_3 = arith.constant 0 : i32
    return %add3A_1, %c0_i32, %c0_i32_2 : i32, i32, i32
  }
  func.func @transform_7(%arg0: i32, %arg1: memref<96xi32, #tpu.memory_space<smem>>, %arg2: memref<96xi32, #tpu.memory_space<smem>>, %arg3: memref<64xi32, #tpu.memory_space<smem>>, %arg4: memref<64xi32, #tpu.memory_space<smem>>, %arg5: memref<32xi32, #tpu.memory_space<smem>>) -> (i32, i32) {
    %c0_i32 = arith.constant 0 : i32
    %c0_i32_0 = arith.constant 0 : i32
    %c0_i32_1 = arith.constant 0 : i32
    return %c0_i32, %c0_i32_0 : i32, i32
  }
}

module attributes {stable_mosaic.version = 14 : i64} {
  func.func @_mse_body(%arg0: i32, %arg1: memref<1x256x1024xf32, #tpu.memory_space<vmem>>, %arg2: memref<1x256x1024xf32, #tpu.memory_space<vmem>>, %arg3: memref<1x256x1024xf32, #tpu.memory_space<vmem>>, %arg4: memref<1x256x1024xf32, #tpu.memory_space<vmem>>, %arg5: memref<1x1x1xf32, #tpu.memory_space<vmem>>) attributes {dimension_semantics = [#tpu.dimension_semantics<arbitrary>], iteration_bounds = array<i64: 4>, scalar_prefetch = 0 : i64, scratch_operands = 0 : i64, tpu.core_type = #tpu.core_type<tc>, window_params = [{transform_indices = @transform_0, window_bounds = array<i64: 1, 256, 1024>}, {transform_indices = @transform_1, window_bounds = array<i64: 1, 256, 1024>}, {transform_indices = @transform_2, window_bounds = array<i64: 1, 256, 1024>}, {transform_indices = @transform_3, window_bounds = array<i64: 1, 256, 1024>}, {pipeline_mode = #tpu.pipeline_mode<synchronous>, transform_indices = @transform_4, window_bounds = array<i64: 1, 1, 1>}]} {
    %get3A = arith.constant 0 : index
    %get3A_0 = arith.constant 0 : index
    %get3A_1 = arith.constant 0 : index
    %get3A_2 = vector.load %arg1[%get3A, %get3A_0, %get3A_1] : memref<1x256x1024xf32, #tpu.memory_space<vmem>>, vector<1x256x1024xf32>
    %get3A_3 = arith.constant 0 : index
    %get3A_4 = arith.constant 0 : index
    %get3A_5 = arith.constant 0 : index
    %get3A_6 = vector.load %arg3[%get3A_3, %get3A_4, %get3A_5] : memref<1x256x1024xf32, #tpu.memory_space<vmem>>, vector<1x256x1024xf32>
    %sub3A = arith.subf %get3A_2, %get3A_6 : vector<1x256x1024xf32>
    %get3A_7 = arith.constant 0 : index
    %get3A_8 = arith.constant 0 : index
    %get3A_9 = arith.constant 0 : index
    %get3A_10 = vector.load %arg2[%get3A_7, %get3A_8, %get3A_9] : memref<1x256x1024xf32, #tpu.memory_space<vmem>>, vector<1x256x1024xf32>
    %get3A_11 = arith.constant 0 : index
    %get3A_12 = arith.constant 0 : index
    %get3A_13 = arith.constant 0 : index
    %get3A_14 = vector.load %arg4[%get3A_11, %get3A_12, %get3A_13] : memref<1x256x1024xf32, #tpu.memory_space<vmem>>, vector<1x256x1024xf32>
    %sub3A_15 = arith.subf %get3A_10, %get3A_14 : vector<1x256x1024xf32>
    %mul3A = arith.mulf %sub3A, %sub3A : vector<1x256x1024xf32>
    %reduce_sum3A = vector.shape_cast %mul3A : vector<1x256x1024xf32> to vector<1x1x256x1024xf32>
    %reduce_sum3A_16 = arith.constant dense<0.000000e+00> : vector<1xf32>
    %reduce_sum3A_17 = vector.multi_reduction <add>, %reduce_sum3A, %reduce_sum3A_16 [1, 2, 3] : vector<1x1x256x1024xf32> to vector<1xf32>
    %reduce_sum3A_18 = vector.shape_cast %reduce_sum3A_17 : vector<1xf32> to vector<1x1x1x1xf32>
    %reduce_sum3A_19 = vector.extract %reduce_sum3A_18[0, 0, 0, 0] : f32 from vector<1x1x1x1xf32>
    %broadcast_in_dim3A = vector.broadcast %reduce_sum3A_19 : f32 to vector<1x1x1xf32>
    %mul3A_20 = arith.mulf %sub3A_15, %sub3A_15 : vector<1x256x1024xf32>
    %reduce_sum3A_21 = vector.shape_cast %mul3A_20 : vector<1x256x1024xf32> to vector<1x1x256x1024xf32>
    %reduce_sum3A_22 = arith.constant dense<0.000000e+00> : vector<1xf32>
    %reduce_sum3A_23 = vector.multi_reduction <add>, %reduce_sum3A_21, %reduce_sum3A_22 [1, 2, 3] : vector<1x1x256x1024xf32> to vector<1xf32>
    %reduce_sum3A_24 = vector.shape_cast %reduce_sum3A_23 : vector<1xf32> to vector<1x1x1x1xf32>
    %reduce_sum3A_25 = vector.extract %reduce_sum3A_24[0, 0, 0, 0] : f32 from vector<1x1x1x1xf32>
    %broadcast_in_dim3A_26 = vector.broadcast %reduce_sum3A_25 : f32 to vector<1x1x1xf32>
    %add3A = arith.addf %broadcast_in_dim3A, %broadcast_in_dim3A_26 : vector<1x1x1xf32>
    %eq3A = arith.constant 0 : i32
    %eq3A_27 = arith.cmpi eq, %arg0, %eq3A : i32
    %broadcast_in_dim3A_28 = arith.constant 0.000000e+00 : f32
    %broadcast_in_dim3A_29 = vector.broadcast %broadcast_in_dim3A_28 : f32 to vector<1x1x1xf32>
    %get3A_30 = arith.constant 0 : index
    %get3A_31 = arith.constant 0 : index
    %get3A_32 = arith.constant 0 : index
    %get3A_33 = vector.load %arg5[%get3A_30, %get3A_31, %get3A_32] : memref<1x1x1xf32, #tpu.memory_space<vmem>>, vector<1x1x1xf32>
    %select_n3A = arith.select %eq3A_27, %broadcast_in_dim3A_29, %get3A_33 : vector<1x1x1xf32>
    %add3A_34 = arith.addf %select_n3A, %add3A : vector<1x1x1xf32>
    %eq3A_35 = arith.constant 3 : i32
    %eq3A_36 = arith.cmpi eq, %arg0, %eq3A_35 : i32
    %div3A = arith.constant 0x4A000000 : f32
    %div3A_37 = vector.broadcast %div3A : f32 to vector<1x1x1xf32>
    %div3A_38 = arith.divf %add3A_34, %div3A_37 : vector<1x1x1xf32>
    %select_n3A_39 = arith.select %eq3A_36, %div3A_38, %add3A_34 : vector<1x1x1xf32>
    %swap3A = arith.constant 0 : index
    %swap3A_40 = arith.constant 0 : index
    %swap3A_41 = arith.constant 0 : index
    %swap3A_42 = vector.load %arg5[%swap3A, %swap3A_40, %swap3A_41] : memref<1x1x1xf32, #tpu.memory_space<vmem>>, vector<1x1x1xf32>
    tpu.vector_store %arg5[%swap3A, %swap3A_40, %swap3A_41], %select_n3A_39 {strides = array<i32>} : memref<1x1x1xf32, #tpu.memory_space<vmem>>, vector<1x1x1xf32>,
    return
  }
  func.func @transform_0(%arg0: i32) -> (i32, i32, i32) {
    %c0_i32 = arith.constant 0 : i32
    %c0_i32_0 = arith.constant 0 : i32
    %c0_i32_1 = arith.constant 0 : i32
    return %c0_i32, %arg0, %c0_i32_0 : i32, i32, i32
  }
  func.func @transform_1(%arg0: i32) -> (i32, i32, i32) {
    %c1_i32 = arith.constant 1 : i32
    %c0_i32 = arith.constant 0 : i32
    %c0_i32_0 = arith.constant 0 : i32
    return %c1_i32, %arg0, %c0_i32 : i32, i32, i32
  }
  func.func @transform_2(%arg0: i32) -> (i32, i32, i32) {
    %c0_i32 = arith.constant 0 : i32
    %c0_i32_0 = arith.constant 0 : i32
    %c0_i32_1 = arith.constant 0 : i32
    return %c0_i32, %arg0, %c0_i32_0 : i32, i32, i32
  }
  func.func @transform_3(%arg0: i32) -> (i32, i32, i32) {
    %c1_i32 = arith.constant 1 : i32
    %c0_i32 = arith.constant 0 : i32
    %c0_i32_0 = arith.constant 0 : i32
    return %c1_i32, %arg0, %c0_i32 : i32, i32, i32
  }
  func.func @transform_4(%arg0: i32) -> (i32, i32, i32) {
    %c0_i32 = arith.constant 0 : i32
    %c0_i32_0 = arith.constant 0 : i32
    %c0_i32_1 = arith.constant 0 : i32
    %c0_i32_2 = arith.constant 0 : i32
    return %c0_i32, %c0_i32_0, %c0_i32_1 : i32, i32, i32
  }
}

</mosaic_0001>

<sc_bundles>
// kernel: kernel.10.cloned.1.call-start
scs
__scs_entry_jumppad:
0x0: {  	(pc) =	sbr.rel $0x88, $3  }
0x1: {  	(tag) =	ssettag $0x0;
	lr =	simm.s32 $0x1  }
0x2: {  	[smem:$0x3F9A] =	sst lr;
	_ =	strace $0xD0000000  }
0x3: {  	_ = 	snop  }
0x4: {  	_ = 	snop  }
0x5: {  	_ = 	snop  }
0x6: {  	_ = 	snop  }
0x7: {  	_ = 	snop  }
__scs_overlays_trampoline_lowered:
0x8: {  	[smem:$0x3FA9] =	sst s0  }
0x9: {  	[smem:$0x3FAA] =	sst s1  }
0xa: {  	[smem:$0x3FAB] =	sst s2  }
0xb: {  	[smem:$0x3FAC] =	sst s3  }
0xc: {  	[smem:$0x3FAD] =	sst s4  }
0xd: {  	[smem:$0x3FAE] =	sst s5  }
0xe: {  	[smem:$0x3FAF] =	sst s6  }
0xf: {  	[smem:$0x3FB0] =	sst s7  }
0x10: {  	[smem:$0x3FB1] =	sst s8  }
0x11: {  	[smem:$0x3FB2] =	sst s9;
	s0 =	simm.s32 @!p0 $0x0  }
0x12: {  	s1 =	sld [smem:$0x3F98];
	s0 =	simm.s32 @p0 $0x1  }
0x13: {  	[smem:$0x3FB3] =	sst s0;
	s0 =	simm.s32 @!p1 $0x0  }
0x14: {  	s2 =	sld [smem:$0x3F97];
	s0 =	simm.s32 @p1 $0x1  }
0x15: {  	[smem:$0x3FB4] =	sst s0;
	s0 =	simm.s32 @!p2 $0x0  }
0x16: {  	s3 =	sld [smem:$0x3FDB];
	s0 =	simm.s32 @p2 $0x1  }
0x17: {  	s4 =	simm.s32 $0x1BF5;
	[smem:$0x3FB6] =	sst s0  }
0x18: {  	s0 =	sld [smem:$0x3F99];
	_ =	swait.ge [sflag:s4], $0x0  }
0x19: {  	s7 =	sld [smem:$0x3F9A]  }
0x1a: {  	s8 =	sadd.s32 $0xFFFFE003, lr  }
0x1b: {  	s9 =	sadd.s32 $0xFFFFFEF7, lr;
	s5 =	simm.s32 $0xFFFFFFFF;
	p2 =	slt.u32 s8, $0xFFFFF086  }
0x1c: {  	p1 =	slt.u32 s9, $0xF7A;
	s5 =	simm.s32 @!p2 $0x0  }
0x1d: {  	s5 =	simm.s32 @p1 $0x1;
	p0 =	seq.s32 s7, s2  }
0x1e: {  	s7 =	smul.u32 @!p0 $0xF7A, s2;
	p2 =	seq.s32 @!p0 s5, $0x0  }
0x1f: {  	s9 =	smul.u32 $0xF7A, s1;
	s8 =	simm.s32 @!p0 $0x1BF5;
	p2 =	por !p2, p0  }
0x20: {  	[sflag:s8] =	ssyncset.s32 @!p0 $0xFFFFF086;
	s6 =	sadd.s32 @!p0 s3, s7;
	s7 =	simm.s32 @!p0 $0x108  }
0x21: {  	s3 =	sadd.s32 s3, s9;
	s6 =	sadd.s32 @!p0 $0x88, s6;
	s7 =	simm.s32 @p2 $0x1082  }
0x22: {  	[simem:s7], [sflag:s8] =	dma.local @!p0 [hbm:s6], $0xF7A  }
0x23: {  	s9 =	sor.u32 $0xD0000000, s2;
	s6 =	simm.s32 $0x108;
	_ =	swait.ge @!p0 [sflag:s8], $0x0  }
0x24: {  	s3 =	sadd.s32 $0x88, s3;
	s6 =	simm.s32 @!p1 $0x1082;
	[sflag:s4] =	ssyncset.s32 $0xFFFFF086  }
0x25: {  	[simem:s6], [sflag:s4] =	dma.local [hbm:s3], $0xF7A  }
0x26: {  	[smem:$0x3F9A] =	sst s1;
	(tag) =	ssettag s2;
	_ =	strace s9  }
0x27: {  	s1 =	sld [smem:$0x3FAA]  }
0x28: {  	s2 =	sld [smem:$0x3FAB]  }
0x29: {  	s4 =	sld [smem:$0x3FAD]  }
0x2a: {  	p0 =	seq.s32 s5, $0x0;
	s5 =	sld [smem:$0x3FAE]  }
0x2b: {  	s6 =	sld [smem:$0x3FAF]  }
0x2c: {  	s7 =	sld [smem:$0x3FB0]  }
0x2d: {  	s3 =	simm.s32 $0x108;
	s8 =	sld [smem:$0x3FB1]  }
0x2e: {  	s3 =	simm.s32 @!p0 $0x1082;
	s9 =	sld [smem:$0x3FB2]  }
0x2f: {  	lr =	sadd.s32 s0, s3;
	s0 =	sld [smem:$0x3FA9]  }
0x30: {  	s3 =	sld [smem:$0x3FAC]  }
0x31: {  	[smem:$0x3FB5] =	sst s10  }
0x32: {  	s10 =	sld [smem:$0x3FB3];
	_ =	sdelay $0x3  }
0x33: {  	p0 =	seq.s32 s10, $0x1;
	s10 =	sld [smem:$0x3FB5];
	_ =	sdelay $0x3  }
0x34: {  	[smem:$0x3FB5] =	sst s10  }
0x35: {  	s10 =	sld [smem:$0x3FB4];
	_ =	sdelay $0x3  }
0x36: {  	p1 =	seq.s32 s10, $0x1;
	s10 =	sld [smem:$0x3FB5];
	_ =	sdelay $0x3  }
0x37: {  	[smem:$0x3FB5] =	sst s10  }
0x38: {  	s10 =	sld [smem:$0x3FB6]  }
0x39: {  	_ = 	snop;
	(pc) =	sbr.ind lr, $3  }
0x3a: {  	_ = 	snop  }
0x3b: {  	_ = 	snop  }
0x3c: {  	p2 =	seq.s32 s10, $0x1;
	s10 =	sld [smem:$0x3FB5]  }
0x3d: {  	_ =	shalt  }
0x3e: {  	_ =	shalt  }
0x3f: {  	_ =	shalt  }
0x40: {  	_ =	shalt  }
0x41: {  	_ =	shalt  }
0x42: {  	_ =	shalt  }
0x43: {  	_ =	shalt  }
0x44: {  	_ =	shalt  }
0x45: {  	_ =	shalt  }
0x46: {  	_ =	shalt  }
0x47: {  	_ =	shalt  }
0x48: {  	_ =	shalt  }
0x49: {  	_ =	shalt  }
0x4a: {  	_ =	shalt  }
0x4b: {  	_ =	shalt  }
0x4c: {  	_ =	shalt  }
0x4d: {  	_ =	shalt  }
0x4e: {  	_ =	shalt  }
0x4f: {  	_ =	shalt  }
0x50: {  	_ =	shalt  }
0x51: {  	_ =	shalt  }
0x52: {  	_ =	shalt  }
0x53: {  	_ =	shalt  }
0x54: {  	_ =	shalt  }
0x55: {  	_ =	shalt  }
0x56: {  	_ =	shalt  }
0x57: {  	_ =	shalt  }
0x58: {  	_ =	shalt  }
0x59: {  	_ =	shalt  }
0x5a: {  	_ =	shalt  }
0x5b: {  	_ =	shalt  }
0x5c: {  	_ =	shalt  }
0x5d: {  	_ =	shalt  }
0x5e: {  	_ =	shalt  }
0x5f: {  	_ =	shalt  }
0x60: {  	_ =	shalt  }
0x61: {  	_ =	shalt  }
0x62: {  	_ =	shalt  }
0x63: {  	_ =	shalt  }
0x64: {  	_ =	shalt  }
0x65: {  	_ =	shalt  }
0x66: {  	_ =	shalt  }
0x67: {  	_ =	shalt  }
0x68: {  	_ =	shalt  }
0x69: {  	_ =	shalt  }
0x6a: {  	_ =	shalt  }
0x6b: {  	_ =	shalt  }
0x6c: {  	_ =	shalt  }
0x6d: {  	_ =	shalt  }
0x6e: {  	_ =	shalt  }
0x6f: {  	_ =	shalt  }
0x70: {  	_ =	shalt  }
0x71: {  	_ =	shalt  }
0x72: {  	_ =	shalt  }
0x73: {  	_ =	shalt  }
0x74: {  	_ =	shalt  }
0x75: {  	_ =	shalt  }
0x76: {  	_ =	shalt  }
0x77: {  	_ =	shalt  }
0x78: {  	_ =	shalt  }
0x79: {  	_ =	shalt  }
0x7a: {  	_ =	shalt  }
0x7b: {  	_ =	shalt  }
0x7c: {  	_ =	shalt  }
0x7d: {  	_ =	shalt  }
0x7e: {  	_ =	shalt  }
0x7f: {  	_ =	shalt  }
0x80: {  	_ =	shalt  }
0x81: {  	_ =	shalt  }
0x82: {  	_ =	shalt  }
0x83: {  	_ =	shalt  }
0x84: {  	_ =	shalt  }
0x85: {  	_ =	shalt  }
0x86: {  	_ =	shalt  }
0x87: {  	_ =	shalt  }
.Lfunc_end0:
.L_simem_size_0:
called_computation.1_lowered:
.L_overlay_start_0:
0x88: {  	s2 =	sld [smem:$0x3FD9]  }
0x89: {  	s3 =	sld [smem:$0x3FFE];
	_ =	sdelay $0x1  }
0x8a: {  	s1 =	srdreg.scid  }
0x8b: {  	s0 =	sand.u32 $0x1, s1  }
0x8c: {  	s14 =	sshll.u32 s0, $0xA;
	s2 =	sadd.s32 s3, s2  }
0x8d: {  	s2 =	sadd.s32 s2, s14  }
0x8e: {  	[smem:$0x3FC1] =	sst s2  }
0x8f: {  	_ = 	snop  }
0x90: {  	s2 =	sld [smem:$0x3FD0];
	_ =	sdelay $0x2  }
0x91: {  	s15 =	simm.s32 $0xA;
	s4 =	simm.s32 $0x10  }
0x92: {  	[smem:s4], [sflag:s15] =	dma.local [hbm:s2], $0x1  }
0x93: {  	_ =	swait.eq [sflag:s15], $0x1  }
0x94: {  	[sflag:s15] =	ssyncset.done $0x0  }
0x95: {  	[sflag:s15] =	ssyncadd.s32 $0xFFFFFFFF  }
0x96: {  	s16 =	sld [smem:$0x10];
	(tm) =	ssettm $0x1  }
0x97: {  	s17 =	sld [smem:$0x3FFB];
	_ =	sdelay $0x3  }
0x98: {  	_ =	strace s17  }
0x99: {  	s3 =	sld [smem:$0x3FFC];
	_ =	sdelay $0x3  }
0x9a: {  	_ =	strace s3  }
0x9b: {  	s3 =	sld [smem:$0x3FFD];
	_ =	sdelay $0x3  }
0x9c: {  	_ =	strace s3  }
0x9d: {  	_ =	strace $0x8FFFFFFF  }
0x9e: {  	s18 =	sld [smem:$0x3FDB];
	_ =	sdelay $0x1  }
0x9f: {  	s19 =	simm.s32 $_scs_section_size  }
0xa0: {  	s5 =	simm.s32 $_size__tile_overlayer_lowered;
	s6 =	simm.s32 $_tile_overlayer_lowered  }
0xa1: {  	s22 =	simm.s32 $0x1BFF;
	s21 =	sshll.u32 s6, $0x1;
	s3 =	sadd.s32 s19, s18  }
0xa2: {  	s7 =	simm.s32 $0x0;
	s20 =	sshll.u32 s5, $0x1;
	s5 =	sadd.s32 s21, s3  }
0xa3: {  	[timem:s7], [sflag:s22] =	dma.local [hbm:s5], s20  }
0xa4: {  	_ =	swait.ge [sflag:s22], s20  }
0xa5: {  	s4 =	ssub.s32 $0x0, s20;
	[sflag:s22] =	ssyncset.done $0x0  }
0xa6: {  	[sflag:s22] =	ssyncadd.s32 s4;
	_ =	sdelay $0x1  }
0xa7: {  	s23 =	simm.s32 $0x1B8B  }
0xa8: {  	_ =	swait.ge [sflag:s23], $0x1  }
0xa9: {  	[sflag:s23] =	ssyncset.done $0x0  }
0xaa: {  	s25 =	simm.s32 $0x1B8E;
	s24 =	sld [smem:$0x3FFE];
	[sflag:s23] =	ssyncadd.s32 $0xFFFFFFFF  }
0xab: {  	s26 =	simm.s32 $execute0_lowered;
	[smem:$0x3FD2] =	sst s25  }
0xac: {  	s5 =	sshll.u32 s26, $0x1;
	_ =	strace $0x80000049;
	[dreg:$0x1] =	wrdreg $0xFFFFFFFF  }
0xad: {  	s28 =	simm.s32 $_size_execute0_lowered;
	s3 =	sadd.s32 s3, s5;
	[dreg:$0x0] =	wrdreg $0x0  }
0xae: {  	s5 =	sshll.u32 s28, $0x1;
	[dreg:$0x2] =	wrdreg s3  }
0xaf: {  	[dreg:$0x3] =	wrdreg s5  }
0xb0: {  	[dreg:$0x4] =	wrdreg $0xC0  }
0xb1: {  	_ =	task [dreg:s7], $0x5FFFF  }
0xb2: {  	[dreg:$0x1] =	wrdreg $0xFFFFFFFF  }
0xb3: {  	[dreg:$0x0] =	wrdreg $0x60  }
0xb4: {  	[dreg:$0x2] =	wrdreg s24  }
0xb5: {  	[dreg:$0x3] =	wrdreg s16  }
0xb6: {  	[dreg:$0x4] =	wrdreg $0x9  }
0xb7: {  	_ =	task.clear_ibuf [dreg:s7], $0x5FFFF;
	_ =	strace $0x90000049  }
0xb8: {  	s29 =	simm.s32 $0x9;
	_ =	strace $0x8000004B  }
0xb9: {  	_ =	swait.ge [sflag:s29], $0x1  }
0xba: {  	[sflag:s29] =	ssyncadd.s32 $0xFFFFFFFF  }
0xbb: {  	_ =	strace $0x9000004B  }
0xbc: {  	_ =	sfence  }
0xbd: {  	s30 =	sld [smem:$0x0];
	_ =	sdelay $0x2  }
0xbe: {  	s31 =	sshll.u32 s1, $0xD;
	s1 =	sshrl.u32 s1, $0x2  }
0xbf: {  	s3 =	sand.u32 $0x4000, s31;
	s1 =	sadd.s32 s1, s30  }
0xc0: {  	s0 =	sor.u32 s3, s0;
	s1 =	sshll.u32 s1, $0x11  }
0xc1: {  	s0 =	sor.u32 s1, s0  }
0xc2: {  	s0 =	sadd.s32 $0x8F2B, s0  }
0xc3: {  	[sflag:s0] =	ssyncadd.remote.s32 $0x1  }
0xc4: {  	_ =	sfence.sel $0xFFFF  }
0xc5: {  	[dreg:$0x0] =	wrdreg $0xFFFFFFFF;
	(pc) =	sbr.abs _section_cstart, $3  }
0xc6: {  	[dreg:$0x1] =	wrdreg $0xFFFFFFFF  }
0xc7: {  	_ =	task.clear_ibuf [dreg:s7], $0x2FFFF;
	_ =	strace $0x9FFFFFFF  }
0xc8: {  	(tm) =	ssettm $0x7FFFFFFF  }
0xc9: {  	_ =	shalt  }
tec
execute0_lowered:
.L_overlay_start_1:
0x0: {  	(tag) =	ssettag $0x1  }
0x1: {  	s1 =	srdreg.scid  }
0x2: {  	s0 =	stileid.u32;
	s6 =	rddreg [dreg:$0x0]  }
0x3: {  	s4 =	rddreg [dreg:$0x1];
	s18 =	simm.s32 $0x880;
	s19 =	simm.s32 $0x1080  }
0x4: {  	s20 =	simm.s32 $0x1880;
	s22 =	simm.s32 $0x2080;
	s23 =	simm.s32 $0x2880  }
0x5: {  	s7 =	simm.s32 $0x3080;
	s24 =	simm.s32 $0x3880;
	s8 =	simm.s32 $0x4080  }
0x6: {  	s25 =	simm.s32 $0x4880;
	s26 =	simm.s32 $0x5080;
	s1 =	sand.u32 $0x1, s1  }
0x7: {  	s9 =	simm.s32 $0x80;
	s2 =	sshll.u32 s0, $0x7;
	s3 =	sshll.u32 s1, $0x6  }
0x8: {  	s11 =	simm.s32 $0x6080;
	s3 =	sor.u32 s3, s2;
	s2 =	simm.s32 $0x0  }
0x9: {  	s12 =	simm.s32 $0x6880;
	s13 =	simm.s32 $0x7080;
	[smem:$0x7FF] =	sst s2  }
0xa: {  	s14 =	simm.s32 $0x7880;
	_ =	strace $0x8000004A;
	[dreg:$0x5] =	wrdreg s18  }
0xb: {  	s15 =	simm.s32 $0x8080;
	s16 =	simm.s32 $0x8880;
	[dreg:$0x6] =	wrdreg s19  }
0xc: {  	s17 =	simm.s32 $0x9080;
	s28 =	simm.s32 $0xE080;
	[dreg:$0x7] =	wrdreg s20  }
0xd: {  	s29 =	simm.s32 $0xE880;
	s30 =	simm.s32 $0xF080;
	[dreg:$0x8] =	wrdreg s22  }
0xe: {  	s31 =	simm.s32 $0xF880;
	s1 =	ssub.s32 $0x2, s1;
	[dreg:$0x9] =	wrdreg s23  }
0xf: {  	s21 =	sshrl.u32 s1, $0x1;
	s5 =	sshrl.u32 s3, $0x3;
	[dreg:$0xa] =	wrdreg s7  }
0x10: {  	s3 =	sshll.u32 s3, $0x7;
	s1 =	ssub.s32 s1, s21;
	[dreg:$0xb] =	wrdreg s24  }
0x11: {  	s21 =	simm.s32 $0xB080;
	s5 =	sadd.s32 s5, s6;
	[dreg:$0xc] =	wrdreg s8  }
0x12: {  	s3 =	sadd.s32 s4, s3;
	s4 =	sadd.s32 $0x1D00, s6;
	[dreg:$0xd] =	wrdreg s25  }
0x13: {  	s7 =	smax.u32 s1, $0x1;
	s8 =	simm.s32 $0x2;
	[dreg:$0xe] =	wrdreg s26  }
0x14: {  	s18 =	simm.s32 $0x9880;
	s19 =	simm.s32 $0xA080;
	s20 =	simm.s32 $0xA880  }
0x15: {  	s22 =	simm.s32 $0xB880;
	s23 =	simm.s32 $0xC080;
	s24 =	simm.s32 $0xC880  }
0x16: {  	v2 =	vlaneseq.u32;
	s25 =	simm.s32 $0xD080;
	s26 =	simm.s32 $0xD880;
	s1 =	simm.s32 $0x1  }
0x17: {  	vm0 =	vmmov $0xffff;
	v1 =	vshrl.u32 v2, $0x3;
	s5 =	sadd.s32 $0x1A00, s5;
	[dreg:$0x4] =	wrdreg s3;
	s3 =	sadd.s32 $0x1C00, s6  }
0x18: {  	v0 =	vand.u32 $0x7, v2;
	v2 =	vor.u32 $0x8, v2;
	v1 =	vmul.u32 $0x8, v1;
	[dreg:$0x3] =	wrdreg s5;
	s5 =	sadd.s32 $0x1E00, s6;
	s6 =	sadd.s32 $0x1F00, s6  }
.LBB2_1:
0x19: {  	s0 =	rddreg [dreg:$0x3]  }
0x1a: {  	[tilespmem:s2], [sflag:$0x2] =	stream.linear.gather [hbm4b:s0+s2], $0x40, $0x38;
	[tilespmem:$0x10080] =	vst v63  }
0x1b: {  	_ =	swait.ge [sflag:s8], $0x40  }
0x1c: {  	[sflag:s8] =	ssyncset.done $0x0  }
0x1d: {  	[sflag:s8] =	ssyncadd.s32 $0xFFFFFFC0  }
0x1e: {  	v3 =	vld [tilespmem:$0x0];
	_ =	sdelay $0x4  }
0x1f: {  	v4 =	vshll.u32 v3, $0x3  }
0x20: {  	v3 =	vand.u32 $0x7, v3;
	v4 =	vand.u32 $0xFFFFFFC0, v4  }
0x21: {  	v3 =	vor.u32 v3, v4  }
0x22: {  	v4 =	vperm.xlane v3, v0;
	_ =	sdelay $0x1  }
0x23: {  	v4 =	vadd.s32 v1, v4;
	_ =	sdelay $0x4  }
0x24: {  	[tilespmem:s9], [sflag:$0x1] =	stream.indirect_vreg.gather [hbm4b:s3+s2], $0x80, v4, vm0, $0xb8;
	[tilespmem:$0x10080] =	vst v63  }
0x25: {  	s0 =	rddreg [dreg:$0x5];
	v3 =	vperm.xlane v3, v2  }
0x26: {  	[tilespmem:s0], [sflag:$0x1] =	stream.indirect_vreg.gather [hbm4b:s4+s2], $0x80, v4, vm0, $0xb8;
	[tilespmem:$0x10080] =	vst v63  }
0x27: {  	s10 =	rddreg [dreg:$0x6];
	v3 =	vadd.s32 v1, v3  }
0x28: {  	[tilespmem:s10], [sflag:$0x1] =	stream.indirect_vreg.gather [hbm4b:s5+s2], $0x80, v4, vm0, $0xb8;
	[tilespmem:$0x10080] =	vst v63  }
0x29: {  	s0 =	rddreg [dreg:$0x7]  }
0x2a: {  	[tilespmem:s0], [sflag:$0x1] =	stream.indirect_vreg.gather [hbm4b:s6+s2], $0x80, v4, vm0, $0xb8;
	[tilespmem:$0x10080] =	vst v63  }
0x2b: {  	s10 =	rddreg [dreg:$0x8]  }
0x2c: {  	[tilespmem:s10], [sflag:$0x1] =	stream.indirect_vreg.gather [hbm4b:s3+s2], $0x80, v3, vm0, $0xb8;
	[tilespmem:$0x10080] =	vst v63  }
0x2d: {  	s0 =	rddreg [dreg:$0x9]  }
0x2e: {  	[tilespmem:s0], [sflag:$0x1] =	stream.indirect_vreg.gather [hbm4b:s4+s2], $0x80, v3, vm0, $0xb8;
	[tilespmem:$0x10080] =	vst v63  }
0x2f: {  	s10 =	rddreg [dreg:$0xa]  }
0x30: {  	[tilespmem:s10], [sflag:$0x1] =	stream.indirect_vreg.gather [hbm4b:s5+s2], $0x80, v3, vm0, $0xb8;
	[tilespmem:$0x10080] =	vst v63  }
0x31: {  	s0 =	rddreg [dreg:$0xb]  }
0x32: {  	[tilespmem:s0], [sflag:$0x1] =	stream.indirect_vreg.gather [hbm4b:s6+s2], $0x80, v3, vm0, $0xb8;
	[tilespmem:$0x10080] =	vst v63  }
0x33: {  	v3 =	vld [tilespmem:$0x10];
	_ =	sdelay $0x4  }
0x34: {  	v61 =	vshll.u32 v3, $0x3  }
0x35: {  	v3 =	vand.u32 $0x7, v3;
	v4 =	vand.u32 $0xFFFFFFC0, v61  }
0x36: {  	v3 =	vor.u32 v3, v4  }
0x37: {  	v4 =	vperm.xlane v3, v0;
	_ =	sdelay $0x1  }
0x38: {  	v4 =	vadd.s32 v1, v4;
	_ =	sdelay $0x3  }
0x39: {  	s0 =	rddreg [dreg:$0xc]  }
0x3a: {  	[tilespmem:s0], [sflag:$0x1] =	stream.indirect_vreg.gather [hbm4b:s3+s2], $0x80, v4, vm0, $0xb8;
	[tilespmem:$0x10080] =	vst v63  }
0x3b: {  	s10 =	rddreg [dreg:$0xd];
	v3 =	vperm.xlane v3, v2  }
0x3c: {  	[tilespmem:s10], [sflag:$0x1] =	stream.indirect_vreg.gather [hbm4b:s4+s2], $0x80, v4, vm0, $0xb8;
	[tilespmem:$0x10080] =	vst v63  }
0x3d: {  	v3 =	vadd.s32 v1, v3;
	s0 =	rddreg [dreg:$0xe]  }
0x3e: {  	[tilespmem:s0], [sflag:$0x1] =	stream.indirect_vreg.gather [hbm4b:s5+s2], $0x80, v4, vm0, $0xb8;
	[tilespmem:$0x10080] =	vst v63  }
0x3f: {  	s10 =	simm.s32 $0x5880  }
0x40: {  	[tilespmem:s10], [sflag:$0x1] =	stream.indirect_vreg.gather [hbm4b:s6+s2], $0x80, v4, vm0, $0xb8;
	[tilespmem:$0x10080] =	vst v63  }
0x41: {  	_ = 	snop  }
0x42: {  	[tilespmem:s11], [sflag:$0x1] =	stream.indirect_vreg.gather [hbm4b:s3+s2], $0x80, v3, vm0, $0xb8;
	[tilespmem:$0x10080] =	vst v63  }
0x43: {  	_ = 	snop  }
0x44: {  	[tilespmem:s12], [sflag:$0x1] =	stream.indirect_vreg.gather [hbm4b:s4+s2], $0x80, v3, vm0, $0xb8;
	[tilespmem:$0x10080] =	vst v63  }
0x45: {  	_ = 	snop  }
0x46: {  	[tilespmem:s13], [sflag:$0x1] =	stream.indirect_vreg.gather [hbm4b:s5+s2], $0x80, v3, vm0, $0xb8;
	[tilespmem:$0x10080] =	vst v63  }
0x47: {  	_ = 	snop  }
0x48: {  	[tilespmem:s14], [sflag:$0x1] =	stream.indirect_vreg.gather [hbm4b:s6+s2], $0x80, v3, vm0, $0xb8;
	[tilespmem:$0x10080] =	vst v63  }
0x49: {  	v3 =	vld [tilespmem:$0x20];
	_ =	sdelay $0x4  }
0x4a: {  	v62 =	vshll.u32 v3, $0x3  }
0x4b: {  	v3 =	vand.u32 $0x7, v3;
	v4 =	vand.u32 $0xFFFFFFC0, v62  }
0x4c: {  	v3 =	vor.u32 v3, v4  }
0x4d: {  	v4 =	vperm.xlane v3, v0;
	_ =	sdelay $0x1  }
0x4e: {  	v4 =	vadd.s32 v1, v4;
	_ =	sdelay $0x4  }
0x4f: {  	[tilespmem:s15], [sflag:$0x1] =	stream.indirect_vreg.gather [hbm4b:s3+s2], $0x80, v4, vm0, $0xb8;
	[tilespmem:$0x10080] =	vst v63  }
0x50: {  	v3 =	vperm.xlane v3, v2  }
0x51: {  	[tilespmem:s16], [sflag:$0x1] =	stream.indirect_vreg.gather [hbm4b:s4+s2], $0x80, v4, vm0, $0xb8;
	[tilespmem:$0x10080] =	vst v63  }
0x52: {  	v3 =	vadd.s32 v1, v3  }
0x53: {  	[tilespmem:s17], [sflag:$0x1] =	stream.indirect_vreg.gather [hbm4b:s5+s2], $0x80, v4, vm0, $0xb8;
	[tilespmem:$0x10080] =	vst v63  }
0x54: {  	_ = 	snop  }
0x55: {  	[tilespmem:s18], [sflag:$0x1] =	stream.indirect_vreg.gather [hbm4b:s6+s2], $0x80, v4, vm0, $0xb8;
	[tilespmem:$0x10080] =	vst v63  }
0x56: {  	_ = 	snop  }
0x57: {  	[tilespmem:s19], [sflag:$0x1] =	stream.indirect_vreg.gather [hbm4b:s3+s2], $0x80, v3, vm0, $0xb8;
	[tilespmem:$0x10080] =	vst v63  }
0x58: {  	_ = 	snop  }
0x59: {  	[tilespmem:s20], [sflag:$0x1] =	stream.indirect_vreg.gather [hbm4b:s4+s2], $0x80, v3, vm0, $0xb8;
	[tilespmem:$0x10080] =	vst v63  }
0x5a: {  	_ = 	snop  }
0x5b: {  	[tilespmem:s21], [sflag:$0x1] =	stream.indirect_vreg.gather [hbm4b:s5+s2], $0x80, v3, vm0, $0xb8;
	[tilespmem:$0x10080] =	vst v63  }
0x5c: {  	_ = 	snop  }
0x5d: {  	[tilespmem:s22], [sflag:$0x1] =	stream.indirect_vreg.gather [hbm4b:s6+s2], $0x80, v3, vm0, $0xb8;
	[tilespmem:$0x10080] =	vst v63  }
0x5e: {  	v3 =	vld [tilespmem:$0x30];
	_ =	sdelay $0x4  }
0x5f: {  	v63 =	vshll.u32 v3, $0x3  }
0x60: {  	v3 =	vand.u32 $0x7, v3;
	v4 =	vand.u32 $0xFFFFFFC0, v63  }
0x61: {  	v3 =	vor.u32 v3, v4  }
0x62: {  	v4 =	vperm.xlane v3, v0;
	_ =	sdelay $0x1  }
0x63: {  	v4 =	vadd.s32 v1, v4;
	_ =	sdelay $0x4  }
0x64: {  	[tilespmem:s23], [sflag:$0x1] =	stream.indirect_vreg.gather [hbm4b:s3+s2], $0x80, v4, vm0, $0xb8;
	[tilespmem:$0x10080] =	vst v63  }
0x65: {  	v3 =	vperm.xlane v3, v2  }
0x66: {  	[tilespmem:s24], [sflag:$0x1] =	stream.indirect_vreg.gather [hbm4b:s4+s2], $0x80, v4, vm0, $0xb8;
	[tilespmem:$0x10080] =	vst v63  }
0x67: {  	v3 =	vadd.s32 v1, v3  }
0x68: {  	[tilespmem:s25], [sflag:$0x1] =	stream.indirect_vreg.gather [hbm4b:s5+s2], $0x80, v4, vm0, $0xb8;
	[tilespmem:$0x10080] =	vst v63  }
0x69: {  	_ = 	snop  }
0x6a: {  	[tilespmem:s26], [sflag:$0x1] =	stream.indirect_vreg.gather [hbm4b:s6+s2], $0x80, v4, vm0, $0xb8;
	[tilespmem:$0x10080] =	vst v63  }
0x6b: {  	_ = 	snop  }
0x6c: {  	[tilespmem:s28], [sflag:$0x1] =	stream.indirect_vreg.gather [hbm4b:s3+s2], $0x80, v3, vm0, $0xb8;
	[tilespmem:$0x10080] =	vst v63  }
0x6d: {  	_ = 	snop  }
0x6e: {  	[tilespmem:s29], [sflag:$0x1] =	stream.indirect_vreg.gather [hbm4b:s4+s2], $0x80, v3, vm0, $0xb8;
	[tilespmem:$0x10080] =	vst v63  }
0x6f: {  	_ = 	snop  }
0x70: {  	[tilespmem:s30], [sflag:$0x1] =	stream.indirect_vreg.gather [hbm4b:s5+s2], $0x80, v3, vm0, $0xb8;
	[tilespmem:$0x10080] =	vst v63  }
0x71: {  	_ = 	snop  }
0x72: {  	[tilespmem:s31], [sflag:$0x1] =	stream.indirect_vreg.gather [hbm4b:s6+s2], $0x80, v3, vm0, $0xb8;
	[tilespmem:$0x10080] =	vst v63  }
0x73: {  	_ =	swait.ge [sflag:s1], $0x10000  }
0x74: {  	p0 =	sne.s32 s7, $0x1;
	[sflag:s1] =	ssyncset.done $0x0  }
.Ltmp0:
0x75: {  	s10 =	rddreg [dreg:$0x4];
	[sflag:s1] =	ssyncadd.s32 $0xFFFF0000;
	(pc) =	sbr.rel @p0 .LBB2_1-.Ltmp0, $4  }
0x76: {  	[hbm4b:s10+s2] =	stream.linear.scatter [tilespmem:s9], [sflag:$0x2], $0x10000, $0x38;
	[tilespmem:$0x10080] =	vst v63  }
0x77: {  	_ =	swait.ge [sflag:s8], $0x10000  }
0x78: {  	[sflag:s8] =	ssyncset.done $0x0  }
0x79: {  	s7 =	sadd.s32 $0xFFFFFFFF, s7;
	[sflag:s8] =	ssyncadd.s32 $0xFFFF0000  }
0x7a: {  	_ =	sfence.sel $0x180000  }
0x7b: {  	[bflag:$0x0] =	sbarrier.arrive $0xFFFF  }
0x7c: {  	_ =	strace $0x9000004A  }
0x7d: {  	s0 =	stileid.u32;
	[bflag:$0x2] =	sbarrier.arrive $0xFFFF  }
0x7e: {  	p0 =	sne.s32 s0, $0x0;
	s0 =	rddreg [dreg:$0x2]  }
0x7f: {  	s0 =	sadd.s32 @!p0 $0x100000, s0  }
0x80: {  	[sflag:s0] =	ssyncadd.tile.s32 @!p0 $0x1;
	_ =	shalt  }
.Lfunc_end2:
_tile_overlayer_lowered:
.L_overlay_start_2:
0x81: {  	(tag) =	ssettag $0x2  }
0x82: {  	s0 =	rddreg [dreg:$0x0];
	s2 =	stileid.u32  }
0x83: {  	s1 =	rddreg [dreg:$0x1];
	p0 =	sne.s32 s2, $0x0  }
0x84: {  	s3 =	rddreg [dreg:$0x2];
	[bflag:$0x3] =	sbarrier.arrive $0xFFFF;
	s2 =	simm.s32 @!p0 $0x1C02  }
0x85: {  	[timem:s3], [sflag:s2] =	dma.local @!p0 [hbm:s0], s1  }
0x86: {  	s0 =	simm.s32 @!p0 $0x2  }
0x87: {  	_ =	swait.ge @!p0 [sflag:s0], s1  }
0x88: {  	s1 =	ssub.s32 @!p0 $0x0, s1;
	[sflag:s0] =	ssyncset.done @!p0 $0x0  }
0x89: {  	[sflag:s0] =	ssyncadd.s32 @!p0 s1  }
0x8a: {  	[bflag:$0x3] =	sbarrier.arrive $0xFFFF  }
0x8b: {  	_ =	shalt  }

// kernel: kernel.7.cloned.1.call-start
scs
__scs_entry_jumppad:
0x0: {  	(pc) =	sbr.rel $0x88, $3  }
0x1: {  	(tag) =	ssettag $0x0;
	lr =	simm.s32 $0x1  }
0x2: {  	[smem:$0x3F9A] =	sst lr;
	_ =	strace $0xD0000000  }
0x3: {  	_ = 	snop  }
0x4: {  	_ = 	snop  }
0x5: {  	_ = 	snop  }
0x6: {  	_ = 	snop  }
0x7: {  	_ = 	snop  }
__scs_overlays_trampoline_lowered:
0x8: {  	[smem:$0x3FA9] =	sst s0  }
0x9: {  	[smem:$0x3FAA] =	sst s1  }
0xa: {  	[smem:$0x3FAB] =	sst s2  }
0xb: {  	[smem:$0x3FAC] =	sst s3  }
0xc: {  	[smem:$0x3FAD] =	sst s4  }
0xd: {  	[smem:$0x3FAE] =	sst s5  }
0xe: {  	[smem:$0x3FAF] =	sst s6  }
0xf: {  	[smem:$0x3FB0] =	sst s7  }
0x10: {  	[smem:$0x3FB1] =	sst s8  }
0x11: {  	[smem:$0x3FB2] =	sst s9;
	s0 =	simm.s32 @!p0 $0x0  }
0x12: {  	s1 =	sld [smem:$0x3F98];
	s0 =	simm.s32 @p0 $0x1  }
0x13: {  	[smem:$0x3FB3] =	sst s0;
	s0 =	simm.s32 @!p1 $0x0  }
0x14: {  	s2 =	sld [smem:$0x3F97];
	s0 =	simm.s32 @p1 $0x1  }
0x15: {  	[smem:$0x3FB4] =	sst s0;
	s0 =	simm.s32 @!p2 $0x0  }
0x16: {  	s3 =	sld [smem:$0x3FDB];
	s0 =	simm.s32 @p2 $0x1  }
0x17: {  	s4 =	simm.s32 $0x1BF5;
	[smem:$0x3FB6] =	sst s0  }
0x18: {  	s0 =	sld [smem:$0x3F99];
	_ =	swait.ge [sflag:s4], $0x0  }
0x19: {  	s7 =	sld [smem:$0x3F9A]  }
0x1a: {  	s8 =	sadd.s32 $0xFFFFE003, lr  }
0x1b: {  	s9 =	sadd.s32 $0xFFFFFEF7, lr;
	s5 =	simm.s32 $0xFFFFFFFF;
	p2 =	slt.u32 s8, $0xFFFFF086  }
0x1c: {  	p1 =	slt.u32 s9, $0xF7A;
	s5 =	simm.s32 @!p2 $0x0  }
0x1d: {  	s5 =	simm.s32 @p1 $0x1;
	p0 =	seq.s32 s7, s2  }
0x1e: {  	s7 =	smul.u32 @!p0 $0xF7A, s2;
	p2 =	seq.s32 @!p0 s5, $0x0  }
0x1f: {  	s9 =	smul.u32 $0xF7A, s1;
	s8 =	simm.s32 @!p0 $0x1BF5;
	p2 =	por !p2, p0  }
0x20: {  	[sflag:s8] =	ssyncset.s32 @!p0 $0xFFFFF086;
	s6 =	sadd.s32 @!p0 s3, s7;
	s7 =	simm.s32 @!p0 $0x108  }
0x21: {  	s3 =	sadd.s32 s3, s9;
	s6 =	sadd.s32 @!p0 $0x88, s6;
	s7 =	simm.s32 @p2 $0x1082  }
0x22: {  	[simem:s7], [sflag:s8] =	dma.local @!p0 [hbm:s6], $0xF7A  }
0x23: {  	s9 =	sor.u32 $0xD0000000, s2;
	s6 =	simm.s32 $0x108;
	_ =	swait.ge @!p0 [sflag:s8], $0x0  }
0x24: {  	s3 =	sadd.s32 $0x88, s3;
	s6 =	simm.s32 @!p1 $0x1082;
	[sflag:s4] =	ssyncset.s32 $0xFFFFF086  }
0x25: {  	[simem:s6], [sflag:s4] =	dma.local [hbm:s3], $0xF7A  }
0x26: {  	[smem:$0x3F9A] =	sst s1;
	(tag) =	ssettag s2;
	_ =	strace s9  }
0x27: {  	s1 =	sld [smem:$0x3FAA]  }
0x28: {  	s2 =	sld [smem:$0x3FAB]  }
0x29: {  	s4 =	sld [smem:$0x3FAD]  }
0x2a: {  	p0 =	seq.s32 s5, $0x0;
	s5 =	sld [smem:$0x3FAE]  }
0x2b: {  	s6 =	sld [smem:$0x3FAF]  }
0x2c: {  	s7 =	sld [smem:$0x3FB0]  }
0x2d: {  	s3 =	simm.s32 $0x108;
	s8 =	sld [smem:$0x3FB1]  }
0x2e: {  	s3 =	simm.s32 @!p0 $0x1082;
	s9 =	sld [smem:$0x3FB2]  }
0x2f: {  	lr =	sadd.s32 s0, s3;
	s0 =	sld [smem:$0x3FA9]  }
0x30: {  	s3 =	sld [smem:$0x3FAC]  }
0x31: {  	[smem:$0x3FB5] =	sst s10  }
0x32: {  	s10 =	sld [smem:$0x3FB3];
	_ =	sdelay $0x3  }
0x33: {  	p0 =	seq.s32 s10, $0x1;
	s10 =	sld [smem:$0x3FB5];
	_ =	sdelay $0x3  }
0x34: {  	[smem:$0x3FB5] =	sst s10  }
0x35: {  	s10 =	sld [smem:$0x3FB4];
	_ =	sdelay $0x3  }
0x36: {  	p1 =	seq.s32 s10, $0x1;
	s10 =	sld [smem:$0x3FB5];
	_ =	sdelay $0x3  }
0x37: {  	[smem:$0x3FB5] =	sst s10  }
0x38: {  	s10 =	sld [smem:$0x3FB6]  }
0x39: {  	_ = 	snop;
	(pc) =	sbr.ind lr, $3  }
0x3a: {  	_ = 	snop  }
0x3b: {  	_ = 	snop  }
0x3c: {  	p2 =	seq.s32 s10, $0x1;
	s10 =	sld [smem:$0x3FB5]  }
0x3d: {  	_ =	shalt  }
0x3e: {  	_ =	shalt  }
0x3f: {  	_ =	shalt  }
0x40: {  	_ =	shalt  }
0x41: {  	_ =	shalt  }
0x42: {  	_ =	shalt  }
0x43: {  	_ =	shalt  }
0x44: {  	_ =	shalt  }
0x45: {  	_ =	shalt  }
0x46: {  	_ =	shalt  }
0x47: {  	_ =	shalt  }
0x48: {  	_ =	shalt  }
0x49: {  	_ =	shalt  }
0x4a: {  	_ =	shalt  }
0x4b: {  	_ =	shalt  }
0x4c: {  	_ =	shalt  }
0x4d: {  	_ =	shalt  }
0x4e: {  	_ =	shalt  }
0x4f: {  	_ =	shalt  }
0x50: {  	_ =	shalt  }
0x51: {  	_ =	shalt  }
0x52: {  	_ =	shalt  }
0x53: {  	_ =	shalt  }
0x54: {  	_ =	shalt  }
0x55: {  	_ =	shalt  }
0x56: {  	_ =	shalt  }
0x57: {  	_ =	shalt  }
0x58: {  	_ =	shalt  }
0x59: {  	_ =	shalt  }
0x5a: {  	_ =	shalt  }
0x5b: {  	_ =	shalt  }
0x5c: {  	_ =	shalt  }
0x5d: {  	_ =	shalt  }
0x5e: {  	_ =	shalt  }
0x5f: {  	_ =	shalt  }
0x60: {  	_ =	shalt  }
0x61: {  	_ =	shalt  }
0x62: {  	_ =	shalt  }
0x63: {  	_ =	shalt  }
0x64: {  	_ =	shalt  }
0x65: {  	_ =	shalt  }
0x66: {  	_ =	shalt  }
0x67: {  	_ =	shalt  }
0x68: {  	_ =	shalt  }
0x69: {  	_ =	shalt  }
0x6a: {  	_ =	shalt  }
0x6b: {  	_ =	shalt  }
0x6c: {  	_ =	shalt  }
0x6d: {  	_ =	shalt  }
0x6e: {  	_ =	shalt  }
0x6f: {  	_ =	shalt  }
0x70: {  	_ =	shalt  }
0x71: {  	_ =	shalt  }
0x72: {  	_ =	shalt  }
0x73: {  	_ =	shalt  }
0x74: {  	_ =	shalt  }
0x75: {  	_ =	shalt  }
0x76: {  	_ =	shalt  }
0x77: {  	_ =	shalt  }
0x78: {  	_ =	shalt  }
0x79: {  	_ =	shalt  }
0x7a: {  	_ =	shalt  }
0x7b: {  	_ =	shalt  }
0x7c: {  	_ =	shalt  }
0x7d: {  	_ =	shalt  }
0x7e: {  	_ =	shalt  }
0x7f: {  	_ =	shalt  }
0x80: {  	_ =	shalt  }
0x81: {  	_ =	shalt  }
0x82: {  	_ =	shalt  }
0x83: {  	_ =	shalt  }
0x84: {  	_ =	shalt  }
0x85: {  	_ =	shalt  }
0x86: {  	_ =	shalt  }
0x87: {  	_ =	shalt  }
.Lfunc_end0:
.L_simem_size_0:
called_computation_lowered:
.L_overlay_start_0:
0x88: {  	s2 =	sld [smem:$0x3FD9]  }
0x89: {  	s3 =	sld [smem:$0x3FFE];
	_ =	sdelay $0x1  }
0x8a: {  	s1 =	srdreg.scid  }
0x8b: {  	s0 =	sand.u32 $0x1, s1  }
0x8c: {  	s14 =	sshll.u32 s0, $0xA;
	s2 =	sadd.s32 s3, s2  }
0x8d: {  	s2 =	sadd.s32 s2, s14  }
0x8e: {  	[smem:$0x3FC1] =	sst s2  }
0x8f: {  	_ = 	snop  }
0x90: {  	s2 =	sld [smem:$0x3FD0];
	_ =	sdelay $0x2  }
0x91: {  	s4 =	simm.s32 $0xA;
	s5 =	simm.s32 $0x10;
	s15 =	sld [smem:$0x3FC9]  }
0x92: {  	[smem:s5], [sflag:s4] =	dma.local [hbm:s2], $0x1  }
0x93: {  	_ =	swait.eq [sflag:s4], $0x1  }
0x94: {  	[sflag:s4] =	ssyncset.done $0x0  }
0x95: {  	[sflag:s4] =	ssyncadd.s32 $0xFFFFFFFF  }
0x96: {  	s16 =	sld [smem:$0x10];
	(tm) =	ssettm $0x1  }
0x97: {  	s17 =	sld [smem:$0x3FFB];
	_ =	sdelay $0x3  }
0x98: {  	_ =	strace s17  }
0x99: {  	s4 =	sld [smem:$0x3FFC];
	_ =	sdelay $0x3  }
0x9a: {  	_ =	strace s4  }
0x9b: {  	s4 =	sld [smem:$0x3FFD];
	_ =	sdelay $0x3  }
0x9c: {  	_ =	strace s4  }
0x9d: {  	_ =	strace $0x8FFFFFFF  }
0x9e: {  	s18 =	sld [smem:$0x3FDB];
	_ =	sdelay $0x1  }
0x9f: {  	s19 =	simm.s32 $_scs_section_size  }
0xa0: {  	s6 =	simm.s32 $_size__tile_overlayer_lowered;
	s7 =	simm.s32 $_tile_overlayer_lowered  }
0xa1: {  	s22 =	simm.s32 $0x1BFF;
	s21 =	sshll.u32 s7, $0x1;
	s4 =	sadd.s32 s19, s18  }
0xa2: {  	s8 =	simm.s32 $0x0;
	s20 =	sshll.u32 s6, $0x1;
	s6 =	sadd.s32 s21, s4  }
0xa3: {  	[timem:s8], [sflag:s22] =	dma.local [hbm:s6], s20  }
0xa4: {  	_ =	swait.ge [sflag:s22], s20  }
0xa5: {  	s5 =	ssub.s32 $0x0, s20;
	[sflag:s22] =	ssyncset.done $0x0  }
0xa6: {  	[sflag:s22] =	ssyncadd.s32 s5;
	_ =	sdelay $0x1  }
0xa7: {  	s23 =	simm.s32 $0x1B8B  }
0xa8: {  	_ =	swait.ge [sflag:s23], $0x1  }
0xa9: {  	[sflag:s23] =	ssyncset.done $0x0  }
0xaa: {  	s25 =	simm.s32 $0x1B8E;
	s24 =	sld [smem:$0x3FFE];
	[sflag:s23] =	ssyncadd.s32 $0xFFFFFFFF  }
0xab: {  	s26 =	simm.s32 $execute0_lowered;
	[smem:$0x3FD2] =	sst s25  }
0xac: {  	s6 =	sshll.u32 s26, $0x1;
	_ =	strace $0x80000046;
	[dreg:$0x1] =	wrdreg $0xFFFFFFFF  }
0xad: {  	s28 =	simm.s32 $_size_execute0_lowered;
	s4 =	sadd.s32 s4, s6;
	[dreg:$0x0] =	wrdreg $0x0  }
0xae: {  	s6 =	sshll.u32 s28, $0x1;
	[dreg:$0x2] =	wrdreg s4  }
0xaf: {  	[dreg:$0x3] =	wrdreg s6  }
0xb0: {  	[dreg:$0x4] =	wrdreg $0xC0  }
0xb1: {  	_ =	task [dreg:s8], $0x5FFFF  }
0xb2: {  	[dreg:$0x1] =	wrdreg $0xFFFFFFFF  }
0xb3: {  	[dreg:$0x0] =	wrdreg $0x60  }
0xb4: {  	[dreg:$0x2] =	wrdreg s15  }
0xb5: {  	[dreg:$0x3] =	wrdreg s24  }
0xb6: {  	[dreg:$0x4] =	wrdreg s16  }
0xb7: {  	[dreg:$0x5] =	wrdreg $0x9  }
0xb8: {  	_ =	task.clear_ibuf [dreg:s8], $0x6FFFF;
	_ =	strace $0x90000046  }
0xb9: {  	s29 =	simm.s32 $0x9;
	_ =	strace $0x80000048  }
0xba: {  	_ =	swait.ge [sflag:s29], $0x1  }
0xbb: {  	[sflag:s29] =	ssyncadd.s32 $0xFFFFFFFF  }
0xbc: {  	_ =	strace $0x90000048  }
0xbd: {  	_ =	sfence  }
0xbe: {  	s30 =	sld [smem:$0x0];
	_ =	sdelay $0x2  }
0xbf: {  	s31 =	sshll.u32 s1, $0xD;
	s1 =	sshrl.u32 s1, $0x2  }
0xc0: {  	s3 =	sand.u32 $0x4000, s31;
	s1 =	sadd.s32 s1, s30  }
0xc1: {  	s0 =	sor.u32 s3, s0;
	s1 =	sshll.u32 s1, $0x11  }
0xc2: {  	s0 =	sor.u32 s1, s0  }
0xc3: {  	s0 =	sadd.s32 $0x8F2B, s0  }
0xc4: {  	[sflag:s0] =	ssyncadd.remote.s32 $0x1  }
0xc5: {  	_ =	sfence.sel $0xFFFF  }
0xc6: {  	[dreg:$0x0] =	wrdreg $0xFFFFFFFF;
	(pc) =	sbr.abs _section_cstart, $3  }
0xc7: {  	[dreg:$0x1] =	wrdreg $0xFFFFFFFF  }
0xc8: {  	_ =	task.clear_ibuf [dreg:s8], $0x2FFFF;
	_ =	strace $0x9FFFFFFF  }
0xc9: {  	(tm) =	ssettm $0x7FFFFFFF  }
tec
execute0_lowered:
.L_overlay_start_1:
0x0: {  	(tag) =	ssettag $0x1  }
0x1: {  	s4 =	rddreg [dreg:$0x0]  }
0x2: {  	s1 =	srdreg.scid;
	s5 =	rddreg [dreg:$0x1]  }
0x3: {  	s0 =	stileid.u32;
	s2 =	rddreg [dreg:$0x2];
	s17 =	simm.s32 $0x880  }
0x4: {  	s18 =	simm.s32 $0x1080;
	s19 =	simm.s32 $0x1880;
	s21 =	simm.s32 $0x2080  }
0x5: {  	s22 =	simm.s32 $0x2880;
	s23 =	simm.s32 $0x3080;
	s24 =	simm.s32 $0x3880  }
0x6: {  	s8 =	simm.s32 $0x4080;
	s25 =	simm.s32 $0x4880;
	s1 =	sand.u32 $0x1, s1  }
0x7: {  	s26 =	simm.s32 $0x5080;
	s3 =	sshll.u32 s0, $0x7;
	s6 =	sshll.u32 s1, $0x6  }
0x8: {  	s9 =	simm.s32 $0x80;
	s6 =	sor.u32 s6, s3;
	s3 =	simm.s32 $0x0  }
0x9: {  	s11 =	simm.s32 $0x6080;
	s12 =	simm.s32 $0x6880;
	[smem:$0x7FF] =	sst s3  }
0xa: {  	s13 =	simm.s32 $0x7080;
	_ =	strace $0x80000047;
	[dreg:$0x6] =	wrdreg s17  }
0xb: {  	s14 =	simm.s32 $0x7880;
	s15 =	simm.s32 $0x8080;
	[dreg:$0x7] =	wrdreg s18  }
0xc: {  	s16 =	simm.s32 $0x8880;
	s28 =	simm.s32 $0xE080;
	[dreg:$0x8] =	wrdreg s19  }
0xd: {  	s29 =	simm.s32 $0xE880;
	s30 =	simm.s32 $0xF080;
	[dreg:$0x9] =	wrdreg s21  }
0xe: {  	s31 =	simm.s32 $0xF880;
	s1 =	ssub.s32 $0x2, s1;
	[dreg:$0xa] =	wrdreg s22  }
0xf: {  	s20 =	sshrl.u32 s1, $0x1;
	s7 =	sshrl.u32 s6, $0x3;
	[dreg:$0xb] =	wrdreg s23  }
0x10: {  	s6 =	sshll.u32 s6, $0x7;
	s1 =	ssub.s32 s1, s20;
	[dreg:$0xc] =	wrdreg s24  }
0x11: {  	s20 =	simm.s32 $0xA880;
	s5 =	sadd.s32 s7, s5;
	[dreg:$0xd] =	wrdreg s8  }
0x12: {  	s4 =	sadd.s32 s4, s6;
	s6 =	sadd.s32 $0x300, s2;
	[dreg:$0xe] =	wrdreg s25  }
0x13: {  	s7 =	smax.u32 s1, $0x1;
	s8 =	simm.s32 $0x2;
	[dreg:$0xf] =	wrdreg s26  }
0x14: {  	s17 =	simm.s32 $0x9080;
	s18 =	simm.s32 $0x9880;
	s19 =	simm.s32 $0xA080  }
0x15: {  	s21 =	simm.s32 $0xB080;
	s22 =	simm.s32 $0xB880;
	s23 =	simm.s32 $0xC080  }
0x16: {  	v2 =	vlaneseq.u32;
	s24 =	simm.s32 $0xC880;
	s25 =	simm.s32 $0xD080;
	s26 =	simm.s32 $0xD880  }
0x17: {  	vm0 =	vmmov $0xffff;
	v1 =	vshrl.u32 v2, $0x3;
	s1 =	simm.s32 $0x1;
	s5 =	sadd.s32 $0x1A00, s5;
	[dreg:$0x5] =	wrdreg s4  }
0x18: {  	v0 =	vand.u32 $0x7, v2;
	v2 =	vor.u32 $0x8, v2;
	v1 =	vmul.u32 $0x8, v1;
	s4 =	sadd.s32 $0x100, s2;
	[dreg:$0x4] =	wrdreg s5;
	s5 =	sadd.s32 $0x200, s2  }
.LBB2_1:
0x19: {  	s0 =	rddreg [dreg:$0x4]  }
0x1a: {  	[tilespmem:s3], [sflag:$0x2] =	stream.linear.gather [hbm4b:s0+s3], $0x40, $0x38;
	[tilespmem:$0x10080] =	vst v63  }
0x1b: {  	_ =	swait.ge [sflag:s8], $0x40  }
0x1c: {  	[sflag:s8] =	ssyncset.done $0x0  }
0x1d: {  	s10 =	rddreg [dreg:$0x5];
	[sflag:s8] =	ssyncadd.s32 $0xFFFFFFC0  }
0x1e: {  	[tilespmem:s9], [sflag:$0x2] =	stream.linear.gather [hbm4b:s10+s3], $0x10000, $0x38;
	[tilespmem:$0x10080] =	vst v63  }
0x1f: {  	_ =	swait.ge [sflag:s8], $0x10000  }
0x20: {  	[sflag:s8] =	ssyncset.done $0x0  }
0x21: {  	[sflag:s8] =	ssyncadd.s32 $0xFFFF0000  }
0x22: {  	v3 =	vld [tilespmem:$0x0];
	_ =	sdelay $0x4  }
0x23: {  	v4 =	vshll.u32 v3, $0x3  }
0x24: {  	v3 =	vand.u32 $0x7, v3;
	v4 =	vand.u32 $0xFFFFFFC0, v4  }
0x25: {  	v3 =	vor.u32 v3, v4  }
0x26: {  	v4 =	vperm.xlane v3, v0;
	_ =	sdelay $0x1  }
0x27: {  	v4 =	vadd.s32 v1, v4;
	_ =	sdelay $0x4  }
0x28: {  	[hbm4b:s2+s3] =	stream.indirect_vreg.scatter [tilespmem:s9], [sflag:$0x1], $0x80, v4, vm0, $0xb8;
	[tilespmem:$0x10080] =	vst v63  }
0x29: {  	s0 =	rddreg [dreg:$0x6];
	v3 =	vperm.xlane v3, v2  }
0x2a: {  	[hbm4b:s4+s3] =	stream.indirect_vreg.scatter [tilespmem:s0], [sflag:$0x1], $0x80, v4, vm0, $0xb8;
	[tilespmem:$0x10080] =	vst v63  }
0x2b: {  	s10 =	rddreg [dreg:$0x7];
	v3 =	vadd.s32 v1, v3  }
0x2c: {  	[hbm4b:s5+s3] =	stream.indirect_vreg.scatter [tilespmem:s10], [sflag:$0x1], $0x80, v4, vm0, $0xb8;
	[tilespmem:$0x10080] =	vst v63  }
0x2d: {  	s0 =	rddreg [dreg:$0x8]  }
0x2e: {  	[hbm4b:s6+s3] =	stream.indirect_vreg.scatter [tilespmem:s0], [sflag:$0x1], $0x80, v4, vm0, $0xb8;
	[tilespmem:$0x10080] =	vst v63  }
0x2f: {  	s10 =	rddreg [dreg:$0x9]  }
0x30: {  	[hbm4b:s2+s3] =	stream.indirect_vreg.scatter [tilespmem:s10], [sflag:$0x1], $0x80, v3, vm0, $0xb8;
	[tilespmem:$0x10080] =	vst v63  }
0x31: {  	s0 =	rddreg [dreg:$0xa]  }
0x32: {  	[hbm4b:s4+s3] =	stream.indirect_vreg.scatter [tilespmem:s0], [sflag:$0x1], $0x80, v3, vm0, $0xb8;
	[tilespmem:$0x10080] =	vst v63  }
0x33: {  	s10 =	rddreg [dreg:$0xb]  }
0x34: {  	[hbm4b:s5+s3] =	stream.indirect_vreg.scatter [tilespmem:s10], [sflag:$0x1], $0x80, v3, vm0, $0xb8;
	[tilespmem:$0x10080] =	vst v63  }
0x35: {  	s0 =	rddreg [dreg:$0xc]  }
0x36: {  	[hbm4b:s6+s3] =	stream.indirect_vreg.scatter [tilespmem:s0], [sflag:$0x1], $0x80, v3, vm0, $0xb8;
	[tilespmem:$0x10080] =	vst v63  }
0x37: {  	v3 =	vld [tilespmem:$0x10];
	_ =	sdelay $0x4  }
0x38: {  	v61 =	vshll.u32 v3, $0x3  }
0x39: {  	v3 =	vand.u32 $0x7, v3;
	v4 =	vand.u32 $0xFFFFFFC0, v61  }
0x3a: {  	v3 =	vor.u32 v3, v4  }
0x3b: {  	v4 =	vperm.xlane v3, v0;
	_ =	sdelay $0x1  }
0x3c: {  	v4 =	vadd.s32 v1, v4;
	_ =	sdelay $0x3  }
0x3d: {  	s0 =	rddreg [dreg:$0xd]  }
0x3e: {  	[hbm4b:s2+s3] =	stream.indirect_vreg.scatter [tilespmem:s0], [sflag:$0x1], $0x80, v4, vm0, $0xb8;
	[tilespmem:$0x10080] =	vst v63  }
0x3f: {  	s10 =	rddreg [dreg:$0xe];
	v3 =	vperm.xlane v3, v2  }
0x40: {  	[hbm4b:s4+s3] =	stream.indirect_vreg.scatter [tilespmem:s10], [sflag:$0x1], $0x80, v4, vm0, $0xb8;
	[tilespmem:$0x10080] =	vst v63  }
0x41: {  	v3 =	vadd.s32 v1, v3;
	s0 =	rddreg [dreg:$0xf]  }
0x42: {  	[hbm4b:s5+s3] =	stream.indirect_vreg.scatter [tilespmem:s0], [sflag:$0x1], $0x80, v4, vm0, $0xb8;
	[tilespmem:$0x10080] =	vst v63  }
0x43: {  	s10 =	simm.s32 $0x5880  }
0x44: {  	[hbm4b:s6+s3] =	stream.indirect_vreg.scatter [tilespmem:s10], [sflag:$0x1], $0x80, v4, vm0, $0xb8;
	[tilespmem:$0x10080] =	vst v63  }
0x45: {  	_ = 	snop  }
0x46: {  	[hbm4b:s2+s3] =	stream.indirect_vreg.scatter [tilespmem:s11], [sflag:$0x1], $0x80, v3, vm0, $0xb8;
	[tilespmem:$0x10080] =	vst v63  }
0x47: {  	_ = 	snop  }
0x48: {  	[hbm4b:s4+s3] =	stream.indirect_vreg.scatter [tilespmem:s12], [sflag:$0x1], $0x80, v3, vm0, $0xb8;
	[tilespmem:$0x10080] =	vst v63  }
0x49: {  	_ = 	snop  }
0x4a: {  	[hbm4b:s5+s3] =	stream.indirect_vreg.scatter [tilespmem:s13], [sflag:$0x1], $0x80, v3, vm0, $0xb8;
	[tilespmem:$0x10080] =	vst v63  }
0x4b: {  	_ = 	snop  }
0x4c: {  	[hbm4b:s6+s3] =	stream.indirect_vreg.scatter [tilespmem:s14], [sflag:$0x1], $0x80, v3, vm0, $0xb8;
	[tilespmem:$0x10080] =	vst v63  }
0x4d: {  	v3 =	vld [tilespmem:$0x20];
	_ =	sdelay $0x4  }
0x4e: {  	v62 =	vshll.u32 v3, $0x3  }
0x4f: {  	v3 =	vand.u32 $0x7, v3;
	v4 =	vand.u32 $0xFFFFFFC0, v62  }
0x50: {  	v3 =	vor.u32 v3, v4  }
0x51: {  	v4 =	vperm.xlane v3, v0;
	_ =	sdelay $0x1  }
0x52: {  	v4 =	vadd.s32 v1, v4;
	_ =	sdelay $0x4  }
0x53: {  	[hbm4b:s2+s3] =	stream.indirect_vreg.scatter [tilespmem:s15], [sflag:$0x1], $0x80, v4, vm0, $0xb8;
	[tilespmem:$0x10080] =	vst v63  }
0x54: {  	v3 =	vperm.xlane v3, v2  }
0x55: {  	[hbm4b:s4+s3] =	stream.indirect_vreg.scatter [tilespmem:s16], [sflag:$0x1], $0x80, v4, vm0, $0xb8;
	[tilespmem:$0x10080] =	vst v63  }
0x56: {  	v3 =	vadd.s32 v1, v3  }
0x57: {  	[hbm4b:s5+s3] =	stream.indirect_vreg.scatter [tilespmem:s17], [sflag:$0x1], $0x80, v4, vm0, $0xb8;
	[tilespmem:$0x10080] =	vst v63  }
0x58: {  	_ = 	snop  }
0x59: {  	[hbm4b:s6+s3] =	stream.indirect_vreg.scatter [tilespmem:s18], [sflag:$0x1], $0x80, v4, vm0, $0xb8;
	[tilespmem:$0x10080] =	vst v63  }
0x5a: {  	_ = 	snop  }
0x5b: {  	[hbm4b:s2+s3] =	stream.indirect_vreg.scatter [tilespmem:s19], [sflag:$0x1], $0x80, v3, vm0, $0xb8;
	[tilespmem:$0x10080] =	vst v63  }
0x5c: {  	_ = 	snop  }
0x5d: {  	[hbm4b:s4+s3] =	stream.indirect_vreg.scatter [tilespmem:s20], [sflag:$0x1], $0x80, v3, vm0, $0xb8;
	[tilespmem:$0x10080] =	vst v63  }
0x5e: {  	_ = 	snop  }
0x5f: {  	[hbm4b:s5+s3] =	stream.indirect_vreg.scatter [tilespmem:s21], [sflag:$0x1], $0x80, v3, vm0, $0xb8;
	[tilespmem:$0x10080] =	vst v63  }
0x60: {  	_ = 	snop  }
0x61: {  	[hbm4b:s6+s3] =	stream.indirect_vreg.scatter [tilespmem:s22], [sflag:$0x1], $0x80, v3, vm0, $0xb8;
	[tilespmem:$0x10080] =	vst v63  }
0x62: {  	v3 =	vld [tilespmem:$0x30];
	_ =	sdelay $0x4  }
0x63: {  	v63 =	vshll.u32 v3, $0x3  }
0x64: {  	v3 =	vand.u32 $0x7, v3;
	v4 =	vand.u32 $0xFFFFFFC0, v63  }
0x65: {  	v3 =	vor.u32 v3, v4  }
0x66: {  	v4 =	vperm.xlane v3, v0;
	_ =	sdelay $0x1  }
0x67: {  	v4 =	vadd.s32 v1, v4;
	_ =	sdelay $0x4  }
0x68: {  	[hbm4b:s2+s3] =	stream.indirect_vreg.scatter [tilespmem:s23], [sflag:$0x1], $0x80, v4, vm0, $0xb8;
	[tilespmem:$0x10080] =	vst v63  }
0x69: {  	v3 =	vperm.xlane v3, v2  }
0x6a: {  	[hbm4b:s4+s3] =	stream.indirect_vreg.scatter [tilespmem:s24], [sflag:$0x1], $0x80, v4, vm0, $0xb8;
	[tilespmem:$0x10080] =	vst v63  }
0x6b: {  	v3 =	vadd.s32 v1, v3  }
0x6c: {  	[hbm4b:s5+s3] =	stream.indirect_vreg.scatter [tilespmem:s25], [sflag:$0x1], $0x80, v4, vm0, $0xb8;
	[tilespmem:$0x10080] =	vst v63  }
0x6d: {  	_ = 	snop  }
0x6e: {  	[hbm4b:s6+s3] =	stream.indirect_vreg.scatter [tilespmem:s26], [sflag:$0x1], $0x80, v4, vm0, $0xb8;
	[tilespmem:$0x10080] =	vst v63  }
0x6f: {  	_ = 	snop  }
0x70: {  	[hbm4b:s2+s3] =	stream.indirect_vreg.scatter [tilespmem:s28], [sflag:$0x1], $0x80, v3, vm0, $0xb8;
	[tilespmem:$0x10080] =	vst v63  }
0x71: {  	_ = 	snop  }
0x72: {  	[hbm4b:s4+s3] =	stream.indirect_vreg.scatter [tilespmem:s29], [sflag:$0x1], $0x80, v3, vm0, $0xb8;
	[tilespmem:$0x10080] =	vst v63  }
0x73: {  	p0 =	sne.s32 s7, $0x1  }
0x74: {  	[hbm4b:s5+s3] =	stream.indirect_vreg.scatter [tilespmem:s30], [sflag:$0x1], $0x80, v3, vm0, $0xb8;
	[tilespmem:$0x10080] =	vst v63  }
.Ltmp0:
0x75: {  	_ = 	snop;
	(pc) =	sbr.rel @p0 .LBB2_1-.Ltmp0, $4  }
0x76: {  	[hbm4b:s6+s3] =	stream.indirect_vreg.scatter [tilespmem:s31], [sflag:$0x1], $0x80, v3, vm0, $0xb8;
	[tilespmem:$0x10080] =	vst v63  }
0x77: {  	_ =	swait.ge [sflag:s1], $0x10000  }
0x78: {  	[sflag:s1] =	ssyncset.done $0x0  }
0x79: {  	s7 =	sadd.s32 $0xFFFFFFFF, s7;
	[sflag:s1] =	ssyncadd.s32 $0xFFFF0000  }
0x7a: {  	_ =	sfence.sel $0x180000  }
0x7b: {  	[bflag:$0x0] =	sbarrier.arrive $0xFFFF  }
0x7c: {  	_ =	strace $0x90000047  }
0x7d: {  	s0 =	stileid.u32;
	[bflag:$0x2] =	sbarrier.arrive $0xFFFF  }
0x7e: {  	p0 =	sne.s32 s0, $0x0;
	s0 =	rddreg [dreg:$0x3]  }
0x7f: {  	s0 =	sadd.s32 @!p0 $0x100000, s0  }
0x80: {  	[sflag:s0] =	ssyncadd.tile.s32 @!p0 $0x1;
	_ =	shalt  }
.Lfunc_end2:
_tile_overlayer_lowered:
.L_overlay_start_2:
0x81: {  	(tag) =	ssettag $0x2  }
0x82: {  	s0 =	rddreg [dreg:$0x0];
	s2 =	stileid.u32  }
0x83: {  	s1 =	rddreg [dreg:$0x1];
	p0 =	sne.s32 s2, $0x0  }
0x84: {  	s3 =	rddreg [dreg:$0x2];
	[bflag:$0x3] =	sbarrier.arrive $0xFFFF;
	s2 =	simm.s32 @!p0 $0x1C02  }
0x85: {  	[timem:s3], [sflag:s2] =	dma.local @!p0 [hbm:s0], s1  }
0x86: {  	s0 =	simm.s32 @!p0 $0x2  }
0x87: {  	_ =	swait.ge @!p0 [sflag:s0], s1  }
0x88: {  	s1 =	ssub.s32 @!p0 $0x0, s1;
	[sflag:s0] =	ssyncset.done @!p0 $0x0  }
0x89: {  	[sflag:s0] =	ssyncadd.s32 @!p0 s1  }
0x8a: {  	[bflag:$0x3] =	sbarrier.arrive $0xFFFF  }
0x8b: {  	_ =	shalt  }

</sc_bundles>
